<compile_context>
chip_gen: v7x
topology: tpu7x:2x2x1
jax: 0.10.2.dev20260603
libtpu: 0.0.44.dev20260713+nightly
codegen_flags: <defaults>
</compile_context>

<pallas_src>
import functools

import jax
import jax.numpy as jnp
from jax import lax
from jax.experimental import pallas as pl
from jax.experimental.pallas import tpu as pltpu
from jax.experimental.pallas import tpu_sc as plsc

NC, NS, L = 2, 16, 16
N, E, D = 10000, 320000, 128
NP = 10240
RPT = NP // NS
W_IDX = 128

DEG_PER_TILE = E // (NC * NS)
DEG_PAD = -(-DEG_PER_TILE // (W_IDX * 8)) * W_IDX * 8
DEG_WIN = DEG_PAD // W_IDX

SCT_PER_TILE = E // NS
BWIN = 40
SCT_PAD = -(-SCT_PER_TILE // (W_IDX * BWIN)) * W_IDX * BWIN
SCT_WIN = SCT_PAD // W_IDX

BLK = 1000
GRID = N // BLK

@functools.cache
def _deg_kernel_fn():
  mesh = plsc.VectorSubcoreMesh(
      core_axis_name="c", subcore_axis_name="s", num_cores=NC, num_subcores=NS)

  @functools.partial(
      pl.kernel,
      out_type=jax.ShapeDtypeStruct((NC * NP,), jnp.float32),
      mesh=mesh,
      scratch_types=[
          pltpu.VMEM_SHARED((NP,), jnp.float32),
          pltpu.VMEM((W_IDX,), jnp.float32),
          pltpu.VMEM((DEG_WIN, W_IDX), jnp.int32),
          pltpu.SemaphoreType.DMA,
      ],
  )
  def _deg_kernel(dst_hbm, ones_hbm, zeros_hbm, deg_hbm,
                  deg_sh, ones_v, idx_all, dsem):
    c = lax.axis_index("c")
    s = lax.axis_index("s")
    tile = c * NS + s
    pltpu.sync_copy(ones_hbm, ones_v)
    pltpu.sync_copy(dst_hbm.at[tile], idx_all)
    pltpu.sync_copy(zeros_hbm, deg_sh.at[pl.ds(s * RPT, RPT)])
    plsc.subcore_barrier()

    def batch(bi, carry):
        for k in range(8):
            pltpu.async_copy(ones_v, deg_sh.at[idx_all.at[8 * bi + k]], dsem,
                             add=True)
        for k in range(8):
            pltpu.make_async_copy(ones_v, deg_sh.at[idx_all.at[8 * bi + k]],
                                  dsem).wait()
        return carry

    lax.fori_loop(0, DEG_WIN // 8, batch, 0)
    plsc.subcore_barrier()
    pltpu.sync_copy(deg_sh.at[pl.ds(s * RPT, RPT)],
                    deg_hbm.at[pl.ds(c * NP + s * RPT, RPT)])

  return _deg_kernel


@functools.cache
def _msg_kernel_fn():
  mesh = plsc.VectorSubcoreMesh(
      core_axis_name="c", subcore_axis_name="s", num_cores=NC, num_subcores=NS)

  @functools.partial(
      pl.kernel,
      out_type=jax.ShapeDtypeStruct((NC * NP, D), jnp.float32),
      mesh=mesh,
      scratch_types=[
          pltpu.VMEM_SHARED((NP, D), jnp.float32),
          pltpu.VMEM((BWIN, W_IDX), jnp.int32),
          pltpu.VMEM((BWIN, W_IDX), jnp.int32),
          pltpu.VMEM((W_IDX, D), jnp.float32),
          pltpu.VMEM((W_IDX, D), jnp.float32),
          pltpu.SemaphoreType.DMA,
          pltpu.SemaphoreType.DMA,
          pltpu.SemaphoreType.DMA,
          pltpu.SemaphoreType.DMA,
      ],
  )
  def _msg_kernel(ys_hbm, src_hbm, dst_hbm, zeros_hbm, zt_hbm,
                  zt_sh, src_blk, dst_blk,
                  rows_a, rows_b, sem_a, sem_b, sem_sa, sem_sb):
    c = lax.axis_index("c")
    s = lax.axis_index("s")
    tile = c * NS + s

    for i in range(RPT // 64):
        pltpu.async_copy(zeros_hbm, zt_sh.at[pl.ds(s * RPT + i * 64, 64)],
                         sem_a)
    for i in range(RPT // 64):
        pltpu.make_async_copy(zeros_hbm, zt_sh.at[pl.ds(s * RPT + i * 64, 64)],
                              sem_a).wait()
    plsc.subcore_barrier()

    def fetch_blk(b):
        pltpu.sync_copy(src_hbm.at[tile, pl.ds(b * BWIN, BWIN)], src_blk)
        pltpu.sync_copy(dst_hbm.at[tile, pl.ds(b * BWIN, BWIN)], dst_blk)

    def start_g(j, rows_ref, sem):
        pltpu.async_copy(ys_hbm.at[src_blk.at[j]], rows_ref, sem)

    def wait_g(j, rows_ref, sem):
        pltpu.make_async_copy(ys_hbm.at[src_blk.at[j]], rows_ref, sem).wait()

    def start_s(rows_ref, j, sem):
        pltpu.async_copy(rows_ref, zt_sh.at[dst_blk.at[j]], sem, add=True)

    def wait_s(rows_ref, j, sem):
        pltpu.make_async_copy(rows_ref, zt_sh.at[dst_blk.at[j]], sem).wait()

    def block(b, carry):
        fetch_blk(b)
        start_g(0, rows_a, sem_a)
        start_g(1, rows_b, sem_b)

        def pipe(i, carry2):
            wait_g(2 * i, rows_a, sem_a)
            start_s(rows_a, 2 * i, sem_sa)
            wait_g(2 * i + 1, rows_b, sem_b)
            start_s(rows_b, 2 * i + 1, sem_sb)
            wait_s(rows_a, 2 * i, sem_sa)
            start_g(2 * i + 2, rows_a, sem_a)
            wait_s(rows_b, 2 * i + 1, sem_sb)
            start_g(2 * i + 3, rows_b, sem_b)
            return carry2

        lax.fori_loop(0, BWIN // 2 - 1, pipe, 0)
        wait_g(BWIN - 2, rows_a, sem_a)
        start_s(rows_a, BWIN - 2, sem_sa)
        wait_g(BWIN - 1, rows_b, sem_b)
        start_s(rows_b, BWIN - 1, sem_sb)
        wait_s(rows_a, BWIN - 2, sem_sa)
        wait_s(rows_b, BWIN - 1, sem_sb)
        return carry

    lax.fori_loop(0, SCT_WIN // BWIN, block, 0)
    plsc.subcore_barrier()

    pltpu.sync_copy(zt_sh.at[pl.ds(s * RPT, RPT)],
                    zt_hbm.at[pl.ds(c * NP + s * RPT, RPT)])

  return _msg_kernel


def _xw_body(seq1_ref, seq2_ref, w_ref, xw_ref):
    w = w_ref[...]
    xw_ref[0] = jnp.dot(seq1_ref[...], w, preferred_element_type=jnp.float32)
    xw_ref[1] = jnp.dot(seq2_ref[...], w, preferred_element_type=jnp.float32)


def _xw_call(seq1, seq2, w_gcn):
    return pl.pallas_call(
        _xw_body,
        grid=(GRID,),
        in_specs=[
            pl.BlockSpec((BLK, D), lambda g: (g, 0)),
            pl.BlockSpec((BLK, D), lambda g: (g, 0)),
            pl.BlockSpec((D, D), lambda g: (0, 0)),
        ],
        out_specs=pl.BlockSpec((NC, BLK, D), lambda g: (0, g, 0)),
        out_shape=jax.ShapeDtypeStruct((NC, N, D), jnp.float32),
    )(seq1, seq2, w_gcn)


def _y_body(xw_ref, degs_ref, ys_ref, dinv_ref):
    deg = degs_ref[0] + degs_ref[1] + 1.0
    dinv = lax.rsqrt(deg)
    dinv_ref[...] = dinv
    ys_ref[0] = xw_ref[0] * dinv
    ys_ref[1] = xw_ref[1] * dinv


def _y_call(xw, degs):
    return pl.pallas_call(
        _y_body,
        grid=(GRID,),
        in_specs=[
            pl.BlockSpec((NC, BLK, D), lambda g: (0, g, 0)),
            pl.BlockSpec((NC, BLK, 1), lambda g: (0, g, 0)),
        ],
        out_specs=[
            pl.BlockSpec((NC, BLK, D), lambda g: (0, g, 0)),
            pl.BlockSpec((BLK, 1), lambda g: (g, 0)),
        ],
        out_shape=[
            jax.ShapeDtypeStruct((NC, N, D), jnp.float32),
            jax.ShapeDtypeStruct((N, 1), jnp.float32),
        ],
    )(xw, degs)


def _epi_body(zt_ref, ys_ref, dinv_ref, b_ref, a_ref, wd_ref, bd_ref,
              out_ref, h1_s, h2_s, sum_s):
    g = pl.program_id(0)
    a = a_ref[0, 0]
    dinv = dinv_ref[...]
    b = b_ref[...]
    z1 = dinv * (zt_ref[0] + ys_ref[0]) + b
    h1 = jnp.where(z1 >= 0, z1, a * z1)
    z2 = dinv * (zt_ref[1] + ys_ref[1]) + b
    h2 = jnp.where(z2 >= 0, z2, a * z2)
    h1_s[pl.ds(g * BLK, BLK)] = h1
    h2_s[pl.ds(g * BLK, BLK)] = h2

    @pl.when(g == 0)
    def _init():
        sum_s[...] = jnp.zeros_like(sum_s)

    sum_s[...] += jnp.sum(h1, axis=0, keepdims=True)

    @pl.when(g == pl.num_programs(0) - 1)
    def _finish():
        svec = jax.nn.sigmoid(sum_s[...] * (1.0 / N))
        cw = lax.dot_general(svec, wd_ref[...],
                             (((1,), (1,)), ((), ())),
                             preferred_element_type=jnp.float32)
        bd = bd_ref[0, 0]
        sc1 = lax.dot_general(cw, h1_s[...], (((1,), (1,)), ((), ())),
                              preferred_element_type=jnp.float32)
        sc2 = lax.dot_general(cw, h2_s[...], (((1,), (1,)), ((), ())),
                              preferred_element_type=jnp.float32)
        out_ref[0:1, :] = sc1 + bd
        out_ref[1:2, :] = sc2 + bd


def _epi_call(zt, ys, dinv, b_gcn, prelu_a, w_disc, b_disc):
    return pl.pallas_call(
        _epi_body,
        grid=(GRID,),
        in_specs=[
            pl.BlockSpec((NC, BLK, D), lambda g: (0, g, 0)),
            pl.BlockSpec((NC, BLK, D), lambda g: (0, g, 0)),
            pl.BlockSpec((BLK, 1), lambda g: (g, 0)),
            pl.BlockSpec((1, D), lambda g: (0, 0)),
            pl.BlockSpec(memory_space=pltpu.SMEM),
            pl.BlockSpec((D, D), lambda g: (0, 0)),
            pl.BlockSpec(memory_space=pltpu.SMEM),
        ],
        out_specs=pl.BlockSpec((NC, N), lambda g: (0, 0)),
        out_shape=jax.ShapeDtypeStruct((NC, N), jnp.float32),
        scratch_shapes=[
            pltpu.VMEM((N, D), jnp.float32),
            pltpu.VMEM((N, D), jnp.float32),
            pltpu.VMEM((1, D), jnp.float32),
        ],
    )(zt, ys, dinv, b_gcn, prelu_a, w_disc, b_disc)


def kernel(seq1, seq2, edge_index, W_gcn, b_gcn, prelu_a, W_disc, b_disc):
    src = edge_index[0]
    dst = edge_index[1]

    n_dummy = NP - N

    dstd = dst.reshape(NC * NS, DEG_PER_TILE)
    pad_d = N + (jnp.arange(DEG_PAD - DEG_PER_TILE, dtype=jnp.int32) % n_dummy)
    dstd = jnp.concatenate(
        [dstd, jnp.broadcast_to(pad_d, (NC * NS, DEG_PAD - DEG_PER_TILE))], axis=1)

    srcr = src.reshape(NS, SCT_PER_TILE)
    dstr = dst.reshape(NS, SCT_PER_TILE)
    npad = SCT_PAD - SCT_PER_TILE
    pad_s = jnp.broadcast_to((jnp.arange(npad, dtype=jnp.int32) * 131) % N,
                             (NS, npad))
    pad_t = N + (jnp.arange(npad, dtype=jnp.int32) % n_dummy)
    srcr = jnp.concatenate([srcr, pad_s], axis=1)
    dstr = jnp.concatenate(
        [dstr, jnp.broadcast_to(pad_t, (NS, SCT_PAD - SCT_PER_TILE))], axis=1)
    srcs = jnp.concatenate([srcr, srcr + N], axis=0).reshape(NC * NS, SCT_WIN, W_IDX)
    dsts = jnp.concatenate([dstr, dstr], axis=0).reshape(NC * NS, SCT_WIN, W_IDX)
    dstd = dstd.reshape(NC * NS, DEG_WIN, W_IDX)

    ones_w = jnp.ones((W_IDX,), jnp.float32)
    zeros_r = jnp.zeros((RPT,), jnp.float32)
    zeros_rows = jnp.zeros((64, D), jnp.float32)

    xw = _xw_call(seq1, seq2, W_gcn)
    deg_flat = _deg_kernel_fn()(dstd, ones_w, zeros_r)
    degs = deg_flat.reshape(NC, NP)[:, :N].reshape(NC, N, 1)

    ys, dinv = _y_call(xw, degs)
    ys_flat = ys.reshape(NC * N, D)

    zt_flat = _msg_kernel_fn()(ys_flat, srcs, dsts, zeros_rows)
    zt = zt_flat.reshape(NC, NP, D)

    out2 = _epi_call(zt, ys, dinv, b_gcn.reshape(1, D), prelu_a.reshape(1, 1),
                     W_disc, b_disc.reshape(1, 1))
    return out2.reshape(1, 2 * N)

# --- scband reference (transcript-rebuilt; emitter-appended) ---
"""Pipeline reference for scband-dgi-26121991094550 (READ-ONLY COPY).

The authoritative reference and input builder live on the scoring server;
editing this copy changes nothing except your own understanding.
"""

import jax, jax.numpy as jnp
import numpy as np

N = 10000
E = 320000
D_IN = 128
D_H = 128


def setup_inputs(seed: int = 0):
    key = jax.random.key(seed)
    ks = jax.random.split(key, 8)
    seq1 = jax.random.normal(ks[0], (N, D_IN), dtype=jnp.float32)
    seq2 = jax.random.normal(ks[1], (N, D_IN), dtype=jnp.float32)
    edge_index = jax.random.randint(ks[2], (2, E), 0, N, dtype=jnp.int32)
    # GCNConv parameters (glorot-like init)
    W_gcn = jax.random.normal(ks[3], (D_IN, D_H), dtype=jnp.float32) * (1.0 / np.sqrt(D_IN))
    b_gcn = jnp.zeros((D_H,), dtype=jnp.float32)
    # PReLU parameter (torch default init 0.25, single shared param)
    prelu_a = jnp.asarray(0.25, dtype=jnp.float32)
    # Discriminator nn.Bilinear(n_h, n_h, 1) weight [n_h, n_h] and bias scalar
    W_disc = jax.random.normal(ks[4], (D_H, D_H), dtype=jnp.float32) * (1.0 / np.sqrt(D_H))
    b_disc = jnp.asarray(0.0, dtype=jnp.float32)
    return {
        "seq1": seq1,
        "seq2": seq2,
        "edge_index": edge_index,
        "W_gcn": W_gcn,
        "b_gcn": b_gcn,
        "prelu_a": prelu_a,
        "W_disc": W_disc,
        "b_disc": b_disc,
    }


def _gcn_conv(x, src, dst, W, b):
    # GCNConv: add self loops, symmetric normalization D^-1/2 (A+I) D^-1/2 (X W) + b
    n = x.shape[0]
    loop = jnp.arange(n, dtype=src.dtype)
    s = jnp.concatenate([src, loop])
    d = jnp.concatenate([dst, loop])
    deg = jnp.zeros((n,), jnp.float32).at[d].add(1.0)
    dinv = jnp.where(deg > 0, 1.0 / jnp.sqrt(deg), 0.0)
    norm = dinv[s] * dinv[d]
    xw = x @ W
    msg = jnp.take(xw, s, axis=0) * norm[:, None]
    out = jnp.zeros((n, W.shape[1]), jnp.float32).at[d].add(msg)
    return out + b


def _prelu(x, a):
    return jnp.where(x >= 0, x, a * x)


def reference(seq1, seq2, edge_index, W_gcn, b_gcn, prelu_a, W_disc, b_disc):
    src = edge_index[0]
    dst = edge_index[1]
    # h_1 = act(gnn(seq1, edge_index))
    h1 = _prelu(_gcn_conv(seq1, src, dst, W_gcn, b_gcn), prelu_a)
    # s = sigmoid(AvgReadout(h1))  (batch=None -> mean over all nodes)
    s = jax.nn.sigmoid(jnp.mean(h1, axis=0))
    # h_2 = act(gnn(seq2, edge_index))
    h2 = _prelu(_gcn_conv(seq2, src, dst, W_gcn, b_gcn), prelu_a)
    # Discriminator: bilinear f_k(h, c) = h @ W_disc @ c + b_disc
    cW = W_disc @ s  # [n_h]
    sc1 = h1 @ cW + b_disc  # [N]
    sc2 = h2 @ cW + b_disc  # [N]
    logits = jnp.concatenate([sc1, sc2])[None, :]  # [1, 2N]
    return logits

if __name__ == "__main__":
    import jax
    _d = setup_inputs()
    print(jax.jit(kernel)(*tuple(_d.values())))

</pallas_src>

<mosaic_0001>
#map = affine_map<(d0, d1) -> (0, 0, 0)>
#map1 = affine_map<(d0, d1) -> (0)>
module attributes {stable_mosaic.version = 14 : i64} {
  func.func @_deg_kernel(%arg0: i32, %arg1: i32, %arg2: memref<32x80x128xi32, #tpu.memory_space<hbm>>, %arg3: memref<128xf32, #tpu.memory_space<hbm>>, %arg4: memref<640xf32, #tpu.memory_space<hbm>>, %arg5: memref<20480xf32, #tpu.memory_space<hbm>>, %arg6: memref<10240xf32, #tpu.memory_space<vmem_shared>>, %arg7: memref<128xf32, #tpu.memory_space<vmem>>, %arg8: memref<80x128xi32, #tpu.memory_space<vmem>>, %arg9: memref<!tpu.dma_semaphore, #tpu.memory_space<semaphore_mem>>) attributes {dimension_semantics = [#tpu.dimension_semantics<core_parallel>, #tpu.dimension_semantics<subcore_parallel>], iteration_bounds = array<i64: 2, 16>, scalar_prefetch = 0 : i64, scratch_operands = 4 : i64, tpu.core_type = #tpu.core_type<sc_vector_subcore>, window_params = [{transform_indices = #map}, {transform_indices = #map1}, {transform_indices = #map1}, {transform_indices = #map1}]} {
    %mul3A = arith.constant 16 : i32
    %mul3A_0 = arith.muli %arg0, %mul3A : i32
    %add3A = arith.addi %mul3A_0, %arg1 : i32
    "tpu.region"() ({
      %run_scoped3A = tpu.sem_alloc : memref<!tpu.dma_semaphore, #tpu.memory_space<semaphore_mem>>
      tpu.enqueue_dma source(%arg3 : memref<128xf32, #tpu.memory_space<hbm>>) target(%arg7 : memref<128xf32, #tpu.memory_space<vmem>>) target_semaphore(%run_scoped3A : memref<!tpu.dma_semaphore, #tpu.memory_space<semaphore_mem>>)
      tpu.wait_dma2 semaphore(%run_scoped3A : memref<!tpu.dma_semaphore, #tpu.memory_space<semaphore_mem>>) src(%arg3 : memref<128xf32, #tpu.memory_space<hbm>>) dst(%arg7 : memref<128xf32, #tpu.memory_space<vmem>>)
      tpu.yield
    }) : () -> ()
    "tpu.region"() ({
      %run_scoped3A = tpu.sem_alloc : memref<!tpu.dma_semaphore, #tpu.memory_space<semaphore_mem>>
      %dma_start3A = arith.constant 0 : i32
      %dma_start3A_16 = arith.constant 0 : i32
      %dma_start3A_17 = tpu.memref_slice %arg2[%add3A, %dma_start3A, %dma_start3A_16] : memref<32x80x128xi32, #tpu.memory_space<hbm>> -> memref<1x80x128xi32, #tpu.memory_space<hbm>>
      %dma_start3A_18 = tpu.memref_squeeze %dma_start3A_17 : memref<1x80x128xi32, #tpu.memory_space<hbm>> -> memref<80x128xi32, #tpu.memory_space<hbm>>
      %dma_start3A_19 = arith.constant 0 : i32
      %dma_start3A_20 = arith.constant 0 : i32
      %dma_start3A_21 = tpu.memref_slice %arg2[%add3A, %dma_start3A_19, %dma_start3A_20] : memref<32x80x128xi32, #tpu.memory_space<hbm>> -> memref<1x80x128xi32, #tpu.memory_space<hbm>>
      %dma_start3A_22 = tpu.memref_squeeze %dma_start3A_21 : memref<1x80x128xi32, #tpu.memory_space<hbm>> -> memref<80x128xi32, #tpu.memory_space<hbm>>
      tpu.enqueue_dma source(%dma_start3A_22 : memref<80x128xi32, #tpu.memory_space<hbm>>) target(%arg8 : memref<80x128xi32, #tpu.memory_space<vmem>>) target_semaphore(%run_scoped3A : memref<!tpu.dma_semaphore, #tpu.memory_space<semaphore_mem>>)
      %dma_wait3A = arith.constant 0 : i32
      %dma_wait3A_23 = arith.constant 0 : i32
      %dma_wait3A_24 = tpu.memref_slice %arg2[%add3A, %dma_wait3A, %dma_wait3A_23] : memref<32x80x128xi32, #tpu.memory_space<hbm>> -> memref<1x80x128xi32, #tpu.memory_space<hbm>>
      %dma_wait3A_25 = tpu.memref_squeeze %dma_wait3A_24 : memref<1x80x128xi32, #tpu.memory_space<hbm>> -> memref<80x128xi32, #tpu.memory_space<hbm>>
      %dma_wait3A_26 = arith.constant 0 : i32
      %dma_wait3A_27 = arith.constant 0 : i32
      %dma_wait3A_28 = tpu.memref_slice %arg2[%add3A, %dma_wait3A_26, %dma_wait3A_27] : memref<32x80x128xi32, #tpu.memory_space<hbm>> -> memref<1x80x128xi32, #tpu.memory_space<hbm>>
      %dma_wait3A_29 = tpu.memref_squeeze %dma_wait3A_28 : memref<1x80x128xi32, #tpu.memory_space<hbm>> -> memref<80x128xi32, #tpu.memory_space<hbm>>
      tpu.wait_dma2 semaphore(%run_scoped3A : memref<!tpu.dma_semaphore, #tpu.memory_space<semaphore_mem>>) src(%dma_wait3A_29 : memref<80x128xi32, #tpu.memory_space<hbm>>) dst(%arg8 : memref<80x128xi32, #tpu.memory_space<vmem>>)
      tpu.yield
    }) : () -> ()
    %mul3A_1 = arith.constant 640 : i32
    %mul3A_2 = arith.muli %arg1, %mul3A_1 : i32
    "tpu.region"() ({
      %run_scoped3A = tpu.sem_alloc : memref<!tpu.dma_semaphore, #tpu.memory_space<semaphore_mem>>
      %dma_start3A = tpu.memref_slice %arg6[%mul3A_2] : memref<10240xf32, #tpu.memory_space<vmem_shared>> -> memref<640xf32, #tpu.memory_space<vmem_shared>>
      tpu.enqueue_dma source(%arg4 : memref<640xf32, #tpu.memory_space<hbm>>) target(%dma_start3A : memref<640xf32, #tpu.memory_space<vmem_shared>>) target_semaphore(%run_scoped3A : memref<!tpu.dma_semaphore, #tpu.memory_space<semaphore_mem>>)
      %dma_wait3A = tpu.memref_slice %arg6[%mul3A_2] : memref<10240xf32, #tpu.memory_space<vmem_shared>> -> memref<640xf32, #tpu.memory_space<vmem_shared>>
      tpu.wait_dma2 semaphore(%run_scoped3A : memref<!tpu.dma_semaphore, #tpu.memory_space<semaphore_mem>>) src(%arg4 : memref<640xf32, #tpu.memory_space<hbm>>) dst(%dma_wait3A : memref<640xf32, #tpu.memory_space<vmem_shared>>)
      tpu.yield
    }) : () -> ()
    %barrier3A = arith.constant 0 : index
    tpu.barrier barrier_id(%barrier3A)
    %scan3A = arith.constant 0 : i32
    %scan3A_3 = arith.constant 0 : i32
    %scan3A_4 = arith.constant 10 : i32
    %scan3A_5 = arith.addi %scan3A_3, %scan3A_4 : i32
    %scan3A_6 = arith.constant 1 : i32
    scf.for %scan3A_16 = %scan3A_3 to %scan3A_5 step %scan3A_6  : i32 {
      %mul3A_17 = arith.constant 8 : i32
      %mul3A_18 = arith.muli %mul3A_17, %scan3A_16 : i32
      %add3A_19 = arith.constant 0 : i32
      %add3A_20 = arith.addi %mul3A_18, %add3A_19 : i32
      %dma_start3A = arith.constant 0 : i32
      %dma_start3A_21 = tpu.memref_slice %arg8[%add3A_20, %dma_start3A] : memref<80x128xi32, #tpu.memory_space<vmem>> -> memref<1x128xi32, #tpu.memory_space<vmem>>
      %dma_start3A_22 = tpu.memref_squeeze %dma_start3A_21 : memref<1x128xi32, #tpu.memory_space<vmem>> -> memref<128xi32, #tpu.memory_space<vmem>>
      %dma_start3A_23 = arith.constant 0 : i32
      %dma_start3A_24 = tpu.memref_slice %arg6[%dma_start3A_23] : memref<10240xf32, #tpu.memory_space<vmem_shared>> -> memref<10240xf32, #tpu.memory_space<vmem_shared>>
      tpu.enqueue_indirect_dma source(%arg7 : memref<128xf32, #tpu.memory_space<vmem>>) target(%dma_start3A_24 : memref<10240xf32, #tpu.memory_space<vmem_shared>>) offsets(%dma_start3A_22 : memref<128xi32, #tpu.memory_space<vmem>>) semaphore(%arg9 : memref<!tpu.dma_semaphore, #tpu.memory_space<semaphore_mem>>) {add = true}
      %mul3A_25 = arith.constant 8 : i32
      %mul3A_26 = arith.muli %mul3A_25, %scan3A_16 : i32
      %add3A_27 = arith.constant 1 : i32
      %add3A_28 = arith.addi %mul3A_26, %add3A_27 : i32
      %dma_start3A_29 = arith.constant 0 : i32
      %dma_start3A_30 = tpu.memref_slice %arg8[%add3A_28, %dma_start3A_29] : memref<80x128xi32, #tpu.memory_space<vmem>> -> memref<1x128xi32, #tpu.memory_space<vmem>>
      %dma_start3A_31 = tpu.memref_squeeze %dma_start3A_30 : memref<1x128xi32, #tpu.memory_space<vmem>> -> memref<128xi32, #tpu.memory_space<vmem>>
      %dma_start3A_32 = arith.constant 0 : i32
      %dma_start3A_33 = tpu.memref_slice %arg6[%dma_start3A_32] : memref<10240xf32, #tpu.memory_space<vmem_shared>> -> memref<10240xf32, #tpu.memory_space<vmem_shared>>
      tpu.enqueue_indirect_dma source(%arg7 : memref<128xf32, #tpu.memory_space<vmem>>) target(%dma_start3A_33 : memref<10240xf32, #tpu.memory_space<vmem_shared>>) offsets(%dma_start3A_31 : memref<128xi32, #tpu.memory_space<vmem>>) semaphore(%arg9 : memref<!tpu.dma_semaphore, #tpu.memory_space<semaphore_mem>>) {add = true}
      %mul3A_34 = arith.constant 8 : i32
      %mul3A_35 = arith.muli %mul3A_34, %scan3A_16 : i32
      %add3A_36 = arith.constant 2 : i32
      %add3A_37 = arith.addi %mul3A_35, %add3A_36 : i32
      %dma_start3A_38 = arith.constant 0 : i32
      %dma_start3A_39 = tpu.memref_slice %arg8[%add3A_37, %dma_start3A_38] : memref<80x128xi32, #tpu.memory_space<vmem>> -> memref<1x128xi32, #tpu.memory_space<vmem>>
      %dma_start3A_40 = tpu.memref_squeeze %dma_start3A_39 : memref<1x128xi32, #tpu.memory_space<vmem>> -> memref<128xi32, #tpu.memory_space<vmem>>
      %dma_start3A_41 = arith.constant 0 : i32
      %dma_start3A_42 = tpu.memref_slice %arg6[%dma_start3A_41] : memref<10240xf32, #tpu.memory_space<vmem_shared>> -> memref<10240xf32, #tpu.memory_space<vmem_shared>>
      tpu.enqueue_indirect_dma source(%arg7 : memref<128xf32, #tpu.memory_space<vmem>>) target(%dma_start3A_42 : memref<10240xf32, #tpu.memory_space<vmem_shared>>) offsets(%dma_start3A_40 : memref<128xi32, #tpu.memory_space<vmem>>) semaphore(%arg9 : memref<!tpu.dma_semaphore, #tpu.memory_space<semaphore_mem>>) {add = true}
      %mul3A_43 = arith.constant 8 : i32
      %mul3A_44 = arith.muli %mul3A_43, %scan3A_16 : i32
      %add3A_45 = arith.constant 3 : i32
      %add3A_46 = arith.addi %mul3A_44, %add3A_45 : i32
      %dma_start3A_47 = arith.constant 0 : i32
      %dma_start3A_48 = tpu.memref_slice %arg8[%add3A_46, %dma_start3A_47] : memref<80x128xi32, #tpu.memory_space<vmem>> -> memref<1x128xi32, #tpu.memory_space<vmem>>
      %dma_start3A_49 = tpu.memref_squeeze %dma_start3A_48 : memref<1x128xi32, #tpu.memory_space<vmem>> -> memref<128xi32, #tpu.memory_space<vmem>>
      %dma_start3A_50 = arith.constant 0 : i32
      %dma_start3A_51 = tpu.memref_slice %arg6[%dma_start3A_50] : memref<10240xf32, #tpu.memory_space<vmem_shared>> -> memref<10240xf32, #tpu.memory_space<vmem_shared>>
      tpu.enqueue_indirect_dma source(%arg7 : memref<128xf32, #tpu.memory_space<vmem>>) target(%dma_start3A_51 : memref<10240xf32, #tpu.memory_space<vmem_shared>>) offsets(%dma_start3A_49 : memref<128xi32, #tpu.memory_space<vmem>>) semaphore(%arg9 : memref<!tpu.dma_semaphore, #tpu.memory_space<semaphore_mem>>) {add = true}
      %mul3A_52 = arith.constant 8 : i32
      %mul3A_53 = arith.muli %mul3A_52, %scan3A_16 : i32
      %add3A_54 = arith.constant 4 : i32
      %add3A_55 = arith.addi %mul3A_53, %add3A_54 : i32
      %dma_start3A_56 = arith.constant 0 : i32
      %dma_start3A_57 = tpu.memref_slice %arg8[%add3A_55, %dma_start3A_56] : memref<80x128xi32, #tpu.memory_space<vmem>> -> memref<1x128xi32, #tpu.memory_space<vmem>>
      %dma_start3A_58 = tpu.memref_squeeze %dma_start3A_57 : memref<1x128xi32, #tpu.memory_space<vmem>> -> memref<128xi32, #tpu.memory_space<vmem>>
      %dma_start3A_59 = arith.constant 0 : i32
      %dma_start3A_60 = tpu.memref_slice %arg6[%dma_start3A_59] : memref<10240xf32, #tpu.memory_space<vmem_shared>> -> memref<10240xf32, #tpu.memory_space<vmem_shared>>
      tpu.enqueue_indirect_dma source(%arg7 : memref<128xf32, #tpu.memory_space<vmem>>) target(%dma_start3A_60 : memref<10240xf32, #tpu.memory_space<vmem_shared>>) offsets(%dma_start3A_58 : memref<128xi32, #tpu.memory_space<vmem>>) semaphore(%arg9 : memref<!tpu.dma_semaphore, #tpu.memory_space<semaphore_mem>>) {add = true}
      %mul3A_61 = arith.constant 8 : i32
      %mul3A_62 = arith.muli %mul3A_61, %scan3A_16 : i32
      %add3A_63 = arith.constant 5 : i32
      %add3A_64 = arith.addi %mul3A_62, %add3A_63 : i32
      %dma_start3A_65 = arith.constant 0 : i32
      %dma_start3A_66 = tpu.memref_slice %arg8[%add3A_64, %dma_start3A_65] : memref<80x128xi32, #tpu.memory_space<vmem>> -> memref<1x128xi32, #tpu.memory_space<vmem>>
      %dma_start3A_67 = tpu.memref_squeeze %dma_start3A_66 : memref<1x128xi32, #tpu.memory_space<vmem>> -> memref<128xi32, #tpu.memory_space<vmem>>
      %dma_start3A_68 = arith.constant 0 : i32
      %dma_start3A_69 = tpu.memref_slice %arg6[%dma_start3A_68] : memref<10240xf32, #tpu.memory_space<vmem_shared>> -> memref<10240xf32, #tpu.memory_space<vmem_shared>>
      tpu.enqueue_indirect_dma source(%arg7 : memref<128xf32, #tpu.memory_space<vmem>>) target(%dma_start3A_69 : memref<10240xf32, #tpu.memory_space<vmem_shared>>) offsets(%dma_start3A_67 : memref<128xi32, #tpu.memory_space<vmem>>) semaphore(%arg9 : memref<!tpu.dma_semaphore, #tpu.memory_space<semaphore_mem>>) {add = true}
      %mul3A_70 = arith.constant 8 : i32
      %mul3A_71 = arith.muli %mul3A_70, %scan3A_16 : i32
      %add3A_72 = arith.constant 6 : i32
      %add3A_73 = arith.addi %mul3A_71, %add3A_72 : i32
      %dma_start3A_74 = arith.constant 0 : i32
      %dma_start3A_75 = tpu.memref_slice %arg8[%add3A_73, %dma_start3A_74] : memref<80x128xi32, #tpu.memory_space<vmem>> -> memref<1x128xi32, #tpu.memory_space<vmem>>
      %dma_start3A_76 = tpu.memref_squeeze %dma_start3A_75 : memref<1x128xi32, #tpu.memory_space<vmem>> -> memref<128xi32, #tpu.memory_space<vmem>>
      %dma_start3A_77 = arith.constant 0 : i32
      %dma_start3A_78 = tpu.memref_slice %arg6[%dma_start3A_77] : memref<10240xf32, #tpu.memory_space<vmem_shared>> -> memref<10240xf32, #tpu.memory_space<vmem_shared>>
      tpu.enqueue_indirect_dma source(%arg7 : memref<128xf32, #tpu.memory_space<vmem>>) target(%dma_start3A_78 : memref<10240xf32, #tpu.memory_space<vmem_shared>>) offsets(%dma_start3A_76 : memref<128xi32, #tpu.memory_space<vmem>>) semaphore(%arg9 : memref<!tpu.dma_semaphore, #tpu.memory_space<semaphore_mem>>) {add = true}
      %mul3A_79 = arith.constant 8 : i32
      %mul3A_80 = arith.muli %mul3A_79, %scan3A_16 : i32
      %add3A_81 = arith.constant 7 : i32
      %add3A_82 = arith.addi %mul3A_80, %add3A_81 : i32
      %dma_start3A_83 = arith.constant 0 : i32
      %dma_start3A_84 = tpu.memref_slice %arg8[%add3A_82, %dma_start3A_83] : memref<80x128xi32, #tpu.memory_space<vmem>> -> memref<1x128xi32, #tpu.memory_space<vmem>>
      %dma_start3A_85 = tpu.memref_squeeze %dma_start3A_84 : memref<1x128xi32, #tpu.memory_space<vmem>> -> memref<128xi32, #tpu.memory_space<vmem>>
      %dma_start3A_86 = arith.constant 0 : i32
      %dma_start3A_87 = tpu.memref_slice %arg6[%dma_start3A_86] : memref<10240xf32, #tpu.memory_space<vmem_shared>> -> memref<10240xf32, #tpu.memory_space<vmem_shared>>
      tpu.enqueue_indirect_dma source(%arg7 : memref<128xf32, #tpu.memory_space<vmem>>) target(%dma_start3A_87 : memref<10240xf32, #tpu.memory_space<vmem_shared>>) offsets(%dma_start3A_85 : memref<128xi32, #tpu.memory_space<vmem>>) semaphore(%arg9 : memref<!tpu.dma_semaphore, #tpu.memory_space<semaphore_mem>>) {add = true}
      %mul3A_88 = arith.constant 8 : i32
      %mul3A_89 = arith.muli %mul3A_88, %scan3A_16 : i32
      %add3A_90 = arith.constant 0 : i32
      %add3A_91 = arith.addi %mul3A_89, %add3A_90 : i32
      %dma_wait3A = arith.constant 0 : i32
      %dma_wait3A_92 = tpu.memref_slice %arg8[%add3A_91, %dma_wait3A] : memref<80x128xi32, #tpu.memory_space<vmem>> -> memref<1x128xi32, #tpu.memory_space<vmem>>
      %dma_wait3A_93 = tpu.memref_squeeze %dma_wait3A_92 : memref<1x128xi32, #tpu.memory_space<vmem>> -> memref<128xi32, #tpu.memory_space<vmem>>
      %dma_wait3A_94 = arith.constant 0 : i32
      %dma_wait3A_95 = tpu.memref_slice %arg6[%dma_wait3A_94] : memref<10240xf32, #tpu.memory_space<vmem_shared>> -> memref<10240xf32, #tpu.memory_space<vmem_shared>>
      tpu.wait_indirect_dma semaphore(%arg9 : memref<!tpu.dma_semaphore, #tpu.memory_space<semaphore_mem>>) src(%arg7 : memref<128xf32, #tpu.memory_space<vmem>>) dst(%dma_wait3A_95 : memref<10240xf32, #tpu.memory_space<vmem_shared>>)
      %mul3A_96 = arith.constant 8 : i32
      %mul3A_97 = arith.muli %mul3A_96, %scan3A_16 : i32
      %add3A_98 = arith.constant 1 : i32
      %add3A_99 = arith.addi %mul3A_97, %add3A_98 : i32
      %dma_wait3A_100 = arith.constant 0 : i32
      %dma_wait3A_101 = tpu.memref_slice %arg8[%add3A_99, %dma_wait3A_100] : memref<80x128xi32, #tpu.memory_space<vmem>> -> memref<1x128xi32, #tpu.memory_space<vmem>>
      %dma_wait3A_102 = tpu.memref_squeeze %dma_wait3A_101 : memref<1x128xi32, #tpu.memory_space<vmem>> -> memref<128xi32, #tpu.memory_space<vmem>>
      %dma_wait3A_103 = arith.constant 0 : i32
      %dma_wait3A_104 = tpu.memref_slice %arg6[%dma_wait3A_103] : memref<10240xf32, #tpu.memory_space<vmem_shared>> -> memref<10240xf32, #tpu.memory_space<vmem_shared>>
      tpu.wait_indirect_dma semaphore(%arg9 : memref<!tpu.dma_semaphore, #tpu.memory_space<semaphore_mem>>) src(%arg7 : memref<128xf32, #tpu.memory_space<vmem>>) dst(%dma_wait3A_104 : memref<10240xf32, #tpu.memory_space<vmem_shared>>)
      %mul3A_105 = arith.constant 8 : i32
      %mul3A_106 = arith.muli %mul3A_105, %scan3A_16 : i32
      %add3A_107 = arith.constant 2 : i32
      %add3A_108 = arith.addi %mul3A_106, %add3A_107 : i32
      %dma_wait3A_109 = arith.constant 0 : i32
      %dma_wait3A_110 = tpu.memref_slice %arg8[%add3A_108, %dma_wait3A_109] : memref<80x128xi32, #tpu.memory_space<vmem>> -> memref<1x128xi32, #tpu.memory_space<vmem>>
      %dma_wait3A_111 = tpu.memref_squeeze %dma_wait3A_110 : memref<1x128xi32, #tpu.memory_space<vmem>> -> memref<128xi32, #tpu.memory_space<vmem>>
      %dma_wait3A_112 = arith.constant 0 : i32
      %dma_wait3A_113 = tpu.memref_slice %arg6[%dma_wait3A_112] : memref<10240xf32, #tpu.memory_space<vmem_shared>> -> memref<10240xf32, #tpu.memory_space<vmem_shared>>
      tpu.wait_indirect_dma semaphore(%arg9 : memref<!tpu.dma_semaphore, #tpu.memory_space<semaphore_mem>>) src(%arg7 : memref<128xf32, #tpu.memory_space<vmem>>) dst(%dma_wait3A_113 : memref<10240xf32, #tpu.memory_space<vmem_shared>>)
      %mul3A_114 = arith.constant 8 : i32
      %mul3A_115 = arith.muli %mul3A_114, %scan3A_16 : i32
      %add3A_116 = arith.constant 3 : i32
      %add3A_117 = arith.addi %mul3A_115, %add3A_116 : i32
      %dma_wait3A_118 = arith.constant 0 : i32
      %dma_wait3A_119 = tpu.memref_slice %arg8[%add3A_117, %dma_wait3A_118] : memref<80x128xi32, #tpu.memory_space<vmem>> -> memref<1x128xi32, #tpu.memory_space<vmem>>
      %dma_wait3A_120 = tpu.memref_squeeze %dma_wait3A_119 : memref<1x128xi32, #tpu.memory_space<vmem>> -> memref<128xi32, #tpu.memory_space<vmem>>
      %dma_wait3A_121 = arith.constant 0 : i32
      %dma_wait3A_122 = tpu.memref_slice %arg6[%dma_wait3A_121] : memref<10240xf32, #tpu.memory_space<vmem_shared>> -> memref<10240xf32, #tpu.memory_space<vmem_shared>>
      tpu.wait_indirect_dma semaphore(%arg9 : memref<!tpu.dma_semaphore, #tpu.memory_space<semaphore_mem>>) src(%arg7 : memref<128xf32, #tpu.memory_space<vmem>>) dst(%dma_wait3A_122 : memref<10240xf32, #tpu.memory_space<vmem_shared>>)
      %mul3A_123 = arith.constant 8 : i32
      %mul3A_124 = arith.muli %mul3A_123, %scan3A_16 : i32
      %add3A_125 = arith.constant 4 : i32
      %add3A_126 = arith.addi %mul3A_124, %add3A_125 : i32
      %dma_wait3A_127 = arith.constant 0 : i32
      %dma_wait3A_128 = tpu.memref_slice %arg8[%add3A_126, %dma_wait3A_127] : memref<80x128xi32, #tpu.memory_space<vmem>> -> memref<1x128xi32, #tpu.memory_space<vmem>>
      %dma_wait3A_129 = tpu.memref_squeeze %dma_wait3A_128 : memref<1x128xi32, #tpu.memory_space<vmem>> -> memref<128xi32, #tpu.memory_space<vmem>>
      %dma_wait3A_130 = arith.constant 0 : i32
      %dma_wait3A_131 = tpu.memref_slice %arg6[%dma_wait3A_130] : memref<10240xf32, #tpu.memory_space<vmem_shared>> -> memref<10240xf32, #tpu.memory_space<vmem_shared>>
      tpu.wait_indirect_dma semaphore(%arg9 : memref<!tpu.dma_semaphore, #tpu.memory_space<semaphore_mem>>) src(%arg7 : memref<128xf32, #tpu.memory_space<vmem>>) dst(%dma_wait3A_131 : memref<10240xf32, #tpu.memory_space<vmem_shared>>)
      %mul3A_132 = arith.constant 8 : i32
      %mul3A_133 = arith.muli %mul3A_132, %scan3A_16 : i32
      %add3A_134 = arith.constant 5 : i32
      %add3A_135 = arith.addi %mul3A_133, %add3A_134 : i32
      %dma_wait3A_136 = arith.constant 0 : i32
      %dma_wait3A_137 = tpu.memref_slice %arg8[%add3A_135, %dma_wait3A_136] : memref<80x128xi32, #tpu.memory_space<vmem>> -> memref<1x128xi32, #tpu.memory_space<vmem>>
      %dma_wait3A_138 = tpu.memref_squeeze %dma_wait3A_137 : memref<1x128xi32, #tpu.memory_space<vmem>> -> memref<128xi32, #tpu.memory_space<vmem>>
      %dma_wait3A_139 = arith.constant 0 : i32
      %dma_wait3A_140 = tpu.memref_slice %arg6[%dma_wait3A_139] : memref<10240xf32, #tpu.memory_space<vmem_shared>> -> memref<10240xf32, #tpu.memory_space<vmem_shared>>
      tpu.wait_indirect_dma semaphore(%arg9 : memref<!tpu.dma_semaphore, #tpu.memory_space<semaphore_mem>>) src(%arg7 : memref<128xf32, #tpu.memory_space<vmem>>) dst(%dma_wait3A_140 : memref<10240xf32, #tpu.memory_space<vmem_shared>>)
      %mul3A_141 = arith.constant 8 : i32
      %mul3A_142 = arith.muli %mul3A_141, %scan3A_16 : i32
      %add3A_143 = arith.constant 6 : i32
      %add3A_144 = arith.addi %mul3A_142, %add3A_143 : i32
      %dma_wait3A_145 = arith.constant 0 : i32
      %dma_wait3A_146 = tpu.memref_slice %arg8[%add3A_144, %dma_wait3A_145] : memref<80x128xi32, #tpu.memory_space<vmem>> -> memref<1x128xi32, #tpu.memory_space<vmem>>
      %dma_wait3A_147 = tpu.memref_squeeze %dma_wait3A_146 : memref<1x128xi32, #tpu.memory_space<vmem>> -> memref<128xi32, #tpu.memory_space<vmem>>
      %dma_wait3A_148 = arith.constant 0 : i32
      %dma_wait3A_149 = tpu.memref_slice %arg6[%dma_wait3A_148] : memref<10240xf32, #tpu.memory_space<vmem_shared>> -> memref<10240xf32, #tpu.memory_space<vmem_shared>>
      tpu.wait_indirect_dma semaphore(%arg9 : memref<!tpu.dma_semaphore, #tpu.memory_space<semaphore_mem>>) src(%arg7 : memref<128xf32, #tpu.memory_space<vmem>>) dst(%dma_wait3A_149 : memref<10240xf32, #tpu.memory_space<vmem_shared>>)
      %mul3A_150 = arith.constant 8 : i32
      %mul3A_151 = arith.muli %mul3A_150, %scan3A_16 : i32
      %add3A_152 = arith.constant 7 : i32
      %add3A_153 = arith.addi %mul3A_151, %add3A_152 : i32
      %dma_wait3A_154 = arith.constant 0 : i32
      %dma_wait3A_155 = tpu.memref_slice %arg8[%add3A_153, %dma_wait3A_154] : memref<80x128xi32, #tpu.memory_space<vmem>> -> memref<1x128xi32, #tpu.memory_space<vmem>>
      %dma_wait3A_156 = tpu.memref_squeeze %dma_wait3A_155 : memref<1x128xi32, #tpu.memory_space<vmem>> -> memref<128xi32, #tpu.memory_space<vmem>>
      %dma_wait3A_157 = arith.constant 0 : i32
      %dma_wait3A_158 = tpu.memref_slice %arg6[%dma_wait3A_157] : memref<10240xf32, #tpu.memory_space<vmem_shared>> -> memref<10240xf32, #tpu.memory_space<vmem_shared>>
      tpu.wait_indirect_dma semaphore(%arg9 : memref<!tpu.dma_semaphore, #tpu.memory_space<semaphore_mem>>) src(%arg7 : memref<128xf32, #tpu.memory_space<vmem>>) dst(%dma_wait3A_158 : memref<10240xf32, #tpu.memory_space<vmem_shared>>)
    }
    %scan3A_7 = arith.constant 10 : i32
    %barrier3A_8 = arith.constant 0 : index
    tpu.barrier barrier_id(%barrier3A_8)
    %mul3A_9 = arith.constant 640 : i32
    %mul3A_10 = arith.muli %arg1, %mul3A_9 : i32
    %mul3A_11 = arith.constant 10240 : i32
    %mul3A_12 = arith.muli %arg0, %mul3A_11 : i32
    %mul3A_13 = arith.constant 640 : i32
    %mul3A_14 = arith.muli %arg1, %mul3A_13 : i32
    %add3A_15 = arith.addi %mul3A_12, %mul3A_14 : i32
    "tpu.region"() ({
      %run_scoped3A = tpu.sem_alloc : memref<!tpu.dma_semaphore, #tpu.memory_space<semaphore_mem>>
      %dma_start3A = tpu.memref_slice %arg5[%add3A_15] : memref<20480xf32, #tpu.memory_space<hbm>> -> memref<640xf32, #tpu.memory_space<hbm>>
      %dma_start3A_16 = tpu.memref_slice %arg6[%mul3A_10] : memref<10240xf32, #tpu.memory_space<vmem_shared>> -> memref<640xf32, #tpu.memory_space<vmem_shared>>
      tpu.enqueue_dma source(%dma_start3A_16 : memref<640xf32, #tpu.memory_space<vmem_shared>>) target(%dma_start3A : memref<640xf32, #tpu.memory_space<hbm>>) target_semaphore(%run_scoped3A : memref<!tpu.dma_semaphore, #tpu.memory_space<semaphore_mem>>)
      %dma_wait3A = tpu.memref_slice %arg5[%add3A_15] : memref<20480xf32, #tpu.memory_space<hbm>> -> memref<640xf32, #tpu.memory_space<hbm>>
      %dma_wait3A_17 = tpu.memref_slice %arg6[%mul3A_10] : memref<10240xf32, #tpu.memory_space<vmem_shared>> -> memref<640xf32, #tpu.memory_space<vmem_shared>>
      tpu.wait_dma2 semaphore(%run_scoped3A : memref<!tpu.dma_semaphore, #tpu.memory_space<semaphore_mem>>) src(%dma_wait3A_17 : memref<640xf32, #tpu.memory_space<vmem_shared>>) dst(%dma_wait3A : memref<640xf32, #tpu.memory_space<hbm>>)
      tpu.yield
    }) : () -> ()
    return
  }
}

#map = affine_map<(d0, d1) -> (0, 0)>
#map1 = affine_map<(d0, d1) -> (0, 0, 0)>
module attributes {stable_mosaic.version = 14 : i64} {
  func.func @_msg_kernel(%arg0: i32, %arg1: i32, %arg2: memref<20000x128xf32, #tpu.memory_space<hbm>>, %arg3: memref<32x160x128xi32, #tpu.memory_space<hbm>>, %arg4: memref<32x160x128xi32, #tpu.memory_space<hbm>>, %arg5: memref<64x128xf32, #tpu.memory_space<hbm>>, %arg6: memref<20480x128xf32, #tpu.memory_space<hbm>>, %arg7: memref<10240x128xf32, #tpu.memory_space<vmem_shared>>, %arg8: memref<40x128xi32, #tpu.memory_space<vmem>>, %arg9: memref<40x128xi32, #tpu.memory_space<vmem>>, %arg10: memref<128x128xf32, #tpu.memory_space<vmem>>, %arg11: memref<128x128xf32, #tpu.memory_space<vmem>>, %arg12: memref<!tpu.dma_semaphore, #tpu.memory_space<semaphore_mem>>, %arg13: memref<!tpu.dma_semaphore, #tpu.memory_space<semaphore_mem>>, %arg14: memref<!tpu.dma_semaphore, #tpu.memory_space<semaphore_mem>>, %arg15: memref<!tpu.dma_semaphore, #tpu.memory_space<semaphore_mem>>) attributes {dimension_semantics = [#tpu.dimension_semantics<core_parallel>, #tpu.dimension_semantics<subcore_parallel>], iteration_bounds = array<i64: 2, 16>, scalar_prefetch = 0 : i64, scratch_operands = 9 : i64, tpu.core_type = #tpu.core_type<sc_vector_subcore>, window_params = [{transform_indices = #map}, {transform_indices = #map1}, {transform_indices = #map1}, {transform_indices = #map}, {transform_indices = #map}]} {
    %mul3A = arith.constant 16 : i32
    %mul3A_0 = arith.muli %arg0, %mul3A : i32
    %add3A = arith.addi %mul3A_0, %arg1 : i32
    %mul3A_1 = arith.constant 640 : i32
    %mul3A_2 = arith.muli %arg1, %mul3A_1 : i32
    %add3A_3 = arith.constant 0 : i32
    %add3A_4 = arith.addi %mul3A_2, %add3A_3 : i32
    %dma_start3A = arith.constant 0 : i32
    %dma_start3A_5 = tpu.memref_slice %arg7[%add3A_4, %dma_start3A] : memref<10240x128xf32, #tpu.memory_space<vmem_shared>> -> memref<64x128xf32, #tpu.memory_space<vmem_shared>>
    tpu.enqueue_dma source(%arg5 : memref<64x128xf32, #tpu.memory_space<hbm>>) target(%dma_start3A_5 : memref<64x128xf32, #tpu.memory_space<vmem_shared>>) target_semaphore(%arg12 : memref<!tpu.dma_semaphore, #tpu.memory_space<semaphore_mem>>)
    %mul3A_6 = arith.constant 640 : i32
    %mul3A_7 = arith.muli %arg1, %mul3A_6 : i32
    %add3A_8 = arith.constant 64 : i32
    %add3A_9 = arith.addi %mul3A_7, %add3A_8 : i32
    %dma_start3A_10 = arith.constant 0 : i32
    %dma_start3A_11 = tpu.memref_slice %arg7[%add3A_9, %dma_start3A_10] : memref<10240x128xf32, #tpu.memory_space<vmem_shared>> -> memref<64x128xf32, #tpu.memory_space<vmem_shared>>
    tpu.enqueue_dma source(%arg5 : memref<64x128xf32, #tpu.memory_space<hbm>>) target(%dma_start3A_11 : memref<64x128xf32, #tpu.memory_space<vmem_shared>>) target_semaphore(%arg12 : memref<!tpu.dma_semaphore, #tpu.memory_space<semaphore_mem>>)
    %mul3A_12 = arith.constant 640 : i32
    %mul3A_13 = arith.muli %arg1, %mul3A_12 : i32
    %add3A_14 = arith.constant 128 : i32
    %add3A_15 = arith.addi %mul3A_13, %add3A_14 : i32
    %dma_start3A_16 = arith.constant 0 : i32
    %dma_start3A_17 = tpu.memref_slice %arg7[%add3A_15, %dma_start3A_16] : memref<10240x128xf32, #tpu.memory_space<vmem_shared>> -> memref<64x128xf32, #tpu.memory_space<vmem_shared>>
    tpu.enqueue_dma source(%arg5 : memref<64x128xf32, #tpu.memory_space<hbm>>) target(%dma_start3A_17 : memref<64x128xf32, #tpu.memory_space<vmem_shared>>) target_semaphore(%arg12 : memref<!tpu.dma_semaphore, #tpu.memory_space<semaphore_mem>>)
    %mul3A_18 = arith.constant 640 : i32
    %mul3A_19 = arith.muli %arg1, %mul3A_18 : i32
    %add3A_20 = arith.constant 192 : i32
    %add3A_21 = arith.addi %mul3A_19, %add3A_20 : i32
    %dma_start3A_22 = arith.constant 0 : i32
    %dma_start3A_23 = tpu.memref_slice %arg7[%add3A_21, %dma_start3A_22] : memref<10240x128xf32, #tpu.memory_space<vmem_shared>> -> memref<64x128xf32, #tpu.memory_space<vmem_shared>>
    tpu.enqueue_dma source(%arg5 : memref<64x128xf32, #tpu.memory_space<hbm>>) target(%dma_start3A_23 : memref<64x128xf32, #tpu.memory_space<vmem_shared>>) target_semaphore(%arg12 : memref<!tpu.dma_semaphore, #tpu.memory_space<semaphore_mem>>)
    %mul3A_24 = arith.constant 640 : i32
    %mul3A_25 = arith.muli %arg1, %mul3A_24 : i32
    %add3A_26 = arith.constant 256 : i32
    %add3A_27 = arith.addi %mul3A_25, %add3A_26 : i32
    %dma_start3A_28 = arith.constant 0 : i32
    %dma_start3A_29 = tpu.memref_slice %arg7[%add3A_27, %dma_start3A_28] : memref<10240x128xf32, #tpu.memory_space<vmem_shared>> -> memref<64x128xf32, #tpu.memory_space<vmem_shared>>
    tpu.enqueue_dma source(%arg5 : memref<64x128xf32, #tpu.memory_space<hbm>>) target(%dma_start3A_29 : memref<64x128xf32, #tpu.memory_space<vmem_shared>>) target_semaphore(%arg12 : memref<!tpu.dma_semaphore, #tpu.memory_space<semaphore_mem>>)
    %mul3A_30 = arith.constant 640 : i32
    %mul3A_31 = arith.muli %arg1, %mul3A_30 : i32
    %add3A_32 = arith.constant 320 : i32
    %add3A_33 = arith.addi %mul3A_31, %add3A_32 : i32
    %dma_start3A_34 = arith.constant 0 : i32
    %dma_start3A_35 = tpu.memref_slice %arg7[%add3A_33, %dma_start3A_34] : memref<10240x128xf32, #tpu.memory_space<vmem_shared>> -> memref<64x128xf32, #tpu.memory_space<vmem_shared>>
    tpu.enqueue_dma source(%arg5 : memref<64x128xf32, #tpu.memory_space<hbm>>) target(%dma_start3A_35 : memref<64x128xf32, #tpu.memory_space<vmem_shared>>) target_semaphore(%arg12 : memref<!tpu.dma_semaphore, #tpu.memory_space<semaphore_mem>>)
    %mul3A_36 = arith.constant 640 : i32
    %mul3A_37 = arith.muli %arg1, %mul3A_36 : i32
    %add3A_38 = arith.constant 384 : i32
    %add3A_39 = arith.addi %mul3A_37, %add3A_38 : i32
    %dma_start3A_40 = arith.constant 0 : i32
    %dma_start3A_41 = tpu.memref_slice %arg7[%add3A_39, %dma_start3A_40] : memref<10240x128xf32, #tpu.memory_space<vmem_shared>> -> memref<64x128xf32, #tpu.memory_space<vmem_shared>>
    tpu.enqueue_dma source(%arg5 : memref<64x128xf32, #tpu.memory_space<hbm>>) target(%dma_start3A_41 : memref<64x128xf32, #tpu.memory_space<vmem_shared>>) target_semaphore(%arg12 : memref<!tpu.dma_semaphore, #tpu.memory_space<semaphore_mem>>)
    %mul3A_42 = arith.constant 640 : i32
    %mul3A_43 = arith.muli %arg1, %mul3A_42 : i32
    %add3A_44 = arith.constant 448 : i32
    %add3A_45 = arith.addi %mul3A_43, %add3A_44 : i32
    %dma_start3A_46 = arith.constant 0 : i32
    %dma_start3A_47 = tpu.memref_slice %arg7[%add3A_45, %dma_start3A_46] : memref<10240x128xf32, #tpu.memory_space<vmem_shared>> -> memref<64x128xf32, #tpu.memory_space<vmem_shared>>
    tpu.enqueue_dma source(%arg5 : memref<64x128xf32, #tpu.memory_space<hbm>>) target(%dma_start3A_47 : memref<64x128xf32, #tpu.memory_space<vmem_shared>>) target_semaphore(%arg12 : memref<!tpu.dma_semaphore, #tpu.memory_space<semaphore_mem>>)
    %mul3A_48 = arith.constant 640 : i32
    %mul3A_49 = arith.muli %arg1, %mul3A_48 : i32
    %add3A_50 = arith.constant 512 : i32
    %add3A_51 = arith.addi %mul3A_49, %add3A_50 : i32
    %dma_start3A_52 = arith.constant 0 : i32
    %dma_start3A_53 = tpu.memref_slice %arg7[%add3A_51, %dma_start3A_52] : memref<10240x128xf32, #tpu.memory_space<vmem_shared>> -> memref<64x128xf32, #tpu.memory_space<vmem_shared>>
    tpu.enqueue_dma source(%arg5 : memref<64x128xf32, #tpu.memory_space<hbm>>) target(%dma_start3A_53 : memref<64x128xf32, #tpu.memory_space<vmem_shared>>) target_semaphore(%arg12 : memref<!tpu.dma_semaphore, #tpu.memory_space<semaphore_mem>>)
    %mul3A_54 = arith.constant 640 : i32
    %mul3A_55 = arith.muli %arg1, %mul3A_54 : i32
    %add3A_56 = arith.constant 576 : i32
    %add3A_57 = arith.addi %mul3A_55, %add3A_56 : i32
    %dma_start3A_58 = arith.constant 0 : i32
    %dma_start3A_59 = tpu.memref_slice %arg7[%add3A_57, %dma_start3A_58] : memref<10240x128xf32, #tpu.memory_space<vmem_shared>> -> memref<64x128xf32, #tpu.memory_space<vmem_shared>>
    tpu.enqueue_dma source(%arg5 : memref<64x128xf32, #tpu.memory_space<hbm>>) target(%dma_start3A_59 : memref<64x128xf32, #tpu.memory_space<vmem_shared>>) target_semaphore(%arg12 : memref<!tpu.dma_semaphore, #tpu.memory_space<semaphore_mem>>)
    %mul3A_60 = arith.constant 640 : i32
    %mul3A_61 = arith.muli %arg1, %mul3A_60 : i32
    %add3A_62 = arith.constant 0 : i32
    %add3A_63 = arith.addi %mul3A_61, %add3A_62 : i32
    %dma_wait3A = arith.constant 0 : i32
    %dma_wait3A_64 = tpu.memref_slice %arg7[%add3A_63, %dma_wait3A] : memref<10240x128xf32, #tpu.memory_space<vmem_shared>> -> memref<64x128xf32, #tpu.memory_space<vmem_shared>>
    tpu.wait_dma2 semaphore(%arg12 : memref<!tpu.dma_semaphore, #tpu.memory_space<semaphore_mem>>) src(%arg5 : memref<64x128xf32, #tpu.memory_space<hbm>>) dst(%dma_wait3A_64 : memref<64x128xf32, #tpu.memory_space<vmem_shared>>)
    %mul3A_65 = arith.constant 640 : i32
    %mul3A_66 = arith.muli %arg1, %mul3A_65 : i32
    %add3A_67 = arith.constant 64 : i32
    %add3A_68 = arith.addi %mul3A_66, %add3A_67 : i32
    %dma_wait3A_69 = arith.constant 0 : i32
    %dma_wait3A_70 = tpu.memref_slice %arg7[%add3A_68, %dma_wait3A_69] : memref<10240x128xf32, #tpu.memory_space<vmem_shared>> -> memref<64x128xf32, #tpu.memory_space<vmem_shared>>
    tpu.wait_dma2 semaphore(%arg12 : memref<!tpu.dma_semaphore, #tpu.memory_space<semaphore_mem>>) src(%arg5 : memref<64x128xf32, #tpu.memory_space<hbm>>) dst(%dma_wait3A_70 : memref<64x128xf32, #tpu.memory_space<vmem_shared>>)
    %mul3A_71 = arith.constant 640 : i32
    %mul3A_72 = arith.muli %arg1, %mul3A_71 : i32
    %add3A_73 = arith.constant 128 : i32
    %add3A_74 = arith.addi %mul3A_72, %add3A_73 : i32
    %dma_wait3A_75 = arith.constant 0 : i32
    %dma_wait3A_76 = tpu.memref_slice %arg7[%add3A_74, %dma_wait3A_75] : memref<10240x128xf32, #tpu.memory_space<vmem_shared>> -> memref<64x128xf32, #tpu.memory_space<vmem_shared>>
    tpu.wait_dma2 semaphore(%arg12 : memref<!tpu.dma_semaphore, #tpu.memory_space<semaphore_mem>>) src(%arg5 : memref<64x128xf32, #tpu.memory_space<hbm>>) dst(%dma_wait3A_76 : memref<64x128xf32, #tpu.memory_space<vmem_shared>>)
    %mul3A_77 = arith.constant 640 : i32
    %mul3A_78 = arith.muli %arg1, %mul3A_77 : i32
    %add3A_79 = arith.constant 192 : i32
    %add3A_80 = arith.addi %mul3A_78, %add3A_79 : i32
    %dma_wait3A_81 = arith.constant 0 : i32
    %dma_wait3A_82 = tpu.memref_slice %arg7[%add3A_80, %dma_wait3A_81] : memref<10240x128xf32, #tpu.memory_space<vmem_shared>> -> memref<64x128xf32, #tpu.memory_space<vmem_shared>>
    tpu.wait_dma2 semaphore(%arg12 : memref<!tpu.dma_semaphore, #tpu.memory_space<semaphore_mem>>) src(%arg5 : memref<64x128xf32, #tpu.memory_space<hbm>>) dst(%dma_wait3A_82 : memref<64x128xf32, #tpu.memory_space<vmem_shared>>)
    %mul3A_83 = arith.constant 640 : i32
    %mul3A_84 = arith.muli %arg1, %mul3A_83 : i32
    %add3A_85 = arith.constant 256 : i32
    %add3A_86 = arith.addi %mul3A_84, %add3A_85 : i32
    %dma_wait3A_87 = arith.constant 0 : i32
    %dma_wait3A_88 = tpu.memref_slice %arg7[%add3A_86, %dma_wait3A_87] : memref<10240x128xf32, #tpu.memory_space<vmem_shared>> -> memref<64x128xf32, #tpu.memory_space<vmem_shared>>
    tpu.wait_dma2 semaphore(%arg12 : memref<!tpu.dma_semaphore, #tpu.memory_space<semaphore_mem>>) src(%arg5 : memref<64x128xf32, #tpu.memory_space<hbm>>) dst(%dma_wait3A_88 : memref<64x128xf32, #tpu.memory_space<vmem_shared>>)
    %mul3A_89 = arith.constant 640 : i32
    %mul3A_90 = arith.muli %arg1, %mul3A_89 : i32
    %add3A_91 = arith.constant 320 : i32
    %add3A_92 = arith.addi %mul3A_90, %add3A_91 : i32
    %dma_wait3A_93 = arith.constant 0 : i32
    %dma_wait3A_94 = tpu.memref_slice %arg7[%add3A_92, %dma_wait3A_93] : memref<10240x128xf32, #tpu.memory_space<vmem_shared>> -> memref<64x128xf32, #tpu.memory_space<vmem_shared>>
    tpu.wait_dma2 semaphore(%arg12 : memref<!tpu.dma_semaphore, #tpu.memory_space<semaphore_mem>>) src(%arg5 : memref<64x128xf32, #tpu.memory_space<hbm>>) dst(%dma_wait3A_94 : memref<64x128xf32, #tpu.memory_space<vmem_shared>>)
    %mul3A_95 = arith.constant 640 : i32
    %mul3A_96 = arith.muli %arg1, %mul3A_95 : i32
    %add3A_97 = arith.constant 384 : i32
    %add3A_98 = arith.addi %mul3A_96, %add3A_97 : i32
    %dma_wait3A_99 = arith.constant 0 : i32
    %dma_wait3A_100 = tpu.memref_slice %arg7[%add3A_98, %dma_wait3A_99] : memref<10240x128xf32, #tpu.memory_space<vmem_shared>> -> memref<64x128xf32, #tpu.memory_space<vmem_shared>>
    tpu.wait_dma2 semaphore(%arg12 : memref<!tpu.dma_semaphore, #tpu.memory_space<semaphore_mem>>) src(%arg5 : memref<64x128xf32, #tpu.memory_space<hbm>>) dst(%dma_wait3A_100 : memref<64x128xf32, #tpu.memory_space<vmem_shared>>)
    %mul3A_101 = arith.constant 640 : i32
    %mul3A_102 = arith.muli %arg1, %mul3A_101 : i32
    %add3A_103 = arith.constant 448 : i32
    %add3A_104 = arith.addi %mul3A_102, %add3A_103 : i32
    %dma_wait3A_105 = arith.constant 0 : i32
    %dma_wait3A_106 = tpu.memref_slice %arg7[%add3A_104, %dma_wait3A_105] : memref<10240x128xf32, #tpu.memory_space<vmem_shared>> -> memref<64x128xf32, #tpu.memory_space<vmem_shared>>
    tpu.wait_dma2 semaphore(%arg12 : memref<!tpu.dma_semaphore, #tpu.memory_space<semaphore_mem>>) src(%arg5 : memref<64x128xf32, #tpu.memory_space<hbm>>) dst(%dma_wait3A_106 : memref<64x128xf32, #tpu.memory_space<vmem_shared>>)
    %mul3A_107 = arith.constant 640 : i32
    %mul3A_108 = arith.muli %arg1, %mul3A_107 : i32
    %add3A_109 = arith.constant 512 : i32
    %add3A_110 = arith.addi %mul3A_108, %add3A_109 : i32
    %dma_wait3A_111 = arith.constant 0 : i32
    %dma_wait3A_112 = tpu.memref_slice %arg7[%add3A_110, %dma_wait3A_111] : memref<10240x128xf32, #tpu.memory_space<vmem_shared>> -> memref<64x128xf32, #tpu.memory_space<vmem_shared>>
    tpu.wait_dma2 semaphore(%arg12 : memref<!tpu.dma_semaphore, #tpu.memory_space<semaphore_mem>>) src(%arg5 : memref<64x128xf32, #tpu.memory_space<hbm>>) dst(%dma_wait3A_112 : memref<64x128xf32, #tpu.memory_space<vmem_shared>>)
    %mul3A_113 = arith.constant 640 : i32
    %mul3A_114 = arith.muli %arg1, %mul3A_113 : i32
    %add3A_115 = arith.constant 576 : i32
    %add3A_116 = arith.addi %mul3A_114, %add3A_115 : i32
    %dma_wait3A_117 = arith.constant 0 : i32
    %dma_wait3A_118 = tpu.memref_slice %arg7[%add3A_116, %dma_wait3A_117] : memref<10240x128xf32, #tpu.memory_space<vmem_shared>> -> memref<64x128xf32, #tpu.memory_space<vmem_shared>>
    tpu.wait_dma2 semaphore(%arg12 : memref<!tpu.dma_semaphore, #tpu.memory_space<semaphore_mem>>) src(%arg5 : memref<64x128xf32, #tpu.memory_space<hbm>>) dst(%dma_wait3A_118 : memref<64x128xf32, #tpu.memory_space<vmem_shared>>)
    %barrier3A = arith.constant 0 : index
    tpu.barrier barrier_id(%barrier3A)
    %scan3A = arith.constant 0 : i32
    %scan3A_119 = arith.constant 0 : i32
    %scan3A_120 = arith.constant 4 : i32
    %scan3A_121 = arith.addi %scan3A_119, %scan3A_120 : i32
    %scan3A_122 = arith.constant 1 : i32
    scf.for %scan3A_132 = %scan3A_119 to %scan3A_121 step %scan3A_122  : i32 {
      %mul3A_133 = arith.constant 40 : i32
      %mul3A_134 = arith.muli %scan3A_132, %mul3A_133 : i32
      "tpu.region"() ({
        %run_scoped3A = tpu.sem_alloc : memref<!tpu.dma_semaphore, #tpu.memory_space<semaphore_mem>>
        %dma_start3A_199 = arith.constant 0 : i32
        %dma_start3A_200 = tpu.memref_slice %arg3[%add3A, %mul3A_134, %dma_start3A_199] : memref<32x160x128xi32, #tpu.memory_space<hbm>> -> memref<1x40x128xi32, #tpu.memory_space<hbm>>
        %dma_start3A_201 = tpu.memref_squeeze %dma_start3A_200 : memref<1x40x128xi32, #tpu.memory_space<hbm>> -> memref<40x128xi32, #tpu.memory_space<hbm>>
        %dma_start3A_202 = arith.constant 0 : i32
        %dma_start3A_203 = tpu.memref_slice %arg3[%add3A, %mul3A_134, %dma_start3A_202] : memref<32x160x128xi32, #tpu.memory_space<hbm>> -> memref<1x40x128xi32, #tpu.memory_space<hbm>>
        %dma_start3A_204 = tpu.memref_squeeze %dma_start3A_203 : memref<1x40x128xi32, #tpu.memory_space<hbm>> -> memref<40x128xi32, #tpu.memory_space<hbm>>
        tpu.enqueue_dma source(%dma_start3A_204 : memref<40x128xi32, #tpu.memory_space<hbm>>) target(%arg8 : memref<40x128xi32, #tpu.memory_space<vmem>>) target_semaphore(%run_scoped3A : memref<!tpu.dma_semaphore, #tpu.memory_space<semaphore_mem>>)
        %dma_wait3A_205 = arith.constant 0 : i32
        %dma_wait3A_206 = tpu.memref_slice %arg3[%add3A, %mul3A_134, %dma_wait3A_205] : memref<32x160x128xi32, #tpu.memory_space<hbm>> -> memref<1x40x128xi32, #tpu.memory_space<hbm>>
        %dma_wait3A_207 = tpu.memref_squeeze %dma_wait3A_206 : memref<1x40x128xi32, #tpu.memory_space<hbm>> -> memref<40x128xi32, #tpu.memory_space<hbm>>
        %dma_wait3A_208 = arith.constant 0 : i32
        %dma_wait3A_209 = tpu.memref_slice %arg3[%add3A, %mul3A_134, %dma_wait3A_208] : memref<32x160x128xi32, #tpu.memory_space<hbm>> -> memref<1x40x128xi32, #tpu.memory_space<hbm>>
        %dma_wait3A_210 = tpu.memref_squeeze %dma_wait3A_209 : memref<1x40x128xi32, #tpu.memory_space<hbm>> -> memref<40x128xi32, #tpu.memory_space<hbm>>
        tpu.wait_dma2 semaphore(%run_scoped3A : memref<!tpu.dma_semaphore, #tpu.memory_space<semaphore_mem>>) src(%dma_wait3A_210 : memref<40x128xi32, #tpu.memory_space<hbm>>) dst(%arg8 : memref<40x128xi32, #tpu.memory_space<vmem>>)
        tpu.yield
      }) : () -> ()
      %mul3A_135 = arith.constant 40 : i32
      %mul3A_136 = arith.muli %scan3A_132, %mul3A_135 : i32
      "tpu.region"() ({
        %run_scoped3A = tpu.sem_alloc : memref<!tpu.dma_semaphore, #tpu.memory_space<semaphore_mem>>
        %dma_start3A_199 = arith.constant 0 : i32
        %dma_start3A_200 = tpu.memref_slice %arg4[%add3A, %mul3A_136, %dma_start3A_199] : memref<32x160x128xi32, #tpu.memory_space<hbm>> -> memref<1x40x128xi32, #tpu.memory_space<hbm>>
        %dma_start3A_201 = tpu.memref_squeeze %dma_start3A_200 : memref<1x40x128xi32, #tpu.memory_space<hbm>> -> memref<40x128xi32, #tpu.memory_space<hbm>>
        %dma_start3A_202 = arith.constant 0 : i32
        %dma_start3A_203 = tpu.memref_slice %arg4[%add3A, %mul3A_136, %dma_start3A_202] : memref<32x160x128xi32, #tpu.memory_space<hbm>> -> memref<1x40x128xi32, #tpu.memory_space<hbm>>
        %dma_start3A_204 = tpu.memref_squeeze %dma_start3A_203 : memref<1x40x128xi32, #tpu.memory_space<hbm>> -> memref<40x128xi32, #tpu.memory_space<hbm>>
        tpu.enqueue_dma source(%dma_start3A_204 : memref<40x128xi32, #tpu.memory_space<hbm>>) target(%arg9 : memref<40x128xi32, #tpu.memory_space<vmem>>) target_semaphore(%run_scoped3A : memref<!tpu.dma_semaphore, #tpu.memory_space<semaphore_mem>>)
        %dma_wait3A_205 = arith.constant 0 : i32
        %dma_wait3A_206 = tpu.memref_slice %arg4[%add3A, %mul3A_136, %dma_wait3A_205] : memref<32x160x128xi32, #tpu.memory_space<hbm>> -> memref<1x40x128xi32, #tpu.memory_space<hbm>>
        %dma_wait3A_207 = tpu.memref_squeeze %dma_wait3A_206 : memref<1x40x128xi32, #tpu.memory_space<hbm>> -> memref<40x128xi32, #tpu.memory_space<hbm>>
        %dma_wait3A_208 = arith.constant 0 : i32
        %dma_wait3A_209 = tpu.memref_slice %arg4[%add3A, %mul3A_136, %dma_wait3A_208] : memref<32x160x128xi32, #tpu.memory_space<hbm>> -> memref<1x40x128xi32, #tpu.memory_space<hbm>>
        %dma_wait3A_210 = tpu.memref_squeeze %dma_wait3A_209 : memref<1x40x128xi32, #tpu.memory_space<hbm>> -> memref<40x128xi32, #tpu.memory_space<hbm>>
        tpu.wait_dma2 semaphore(%run_scoped3A : memref<!tpu.dma_semaphore, #tpu.memory_space<semaphore_mem>>) src(%dma_wait3A_210 : memref<40x128xi32, #tpu.memory_space<hbm>>) dst(%arg9 : memref<40x128xi32, #tpu.memory_space<vmem>>)
        tpu.yield
      }) : () -> ()
      %dma_start3A_137 = arith.constant 0 : i32
      %dma_start3A_138 = arith.constant 0 : i32
      %dma_start3A_139 = tpu.memref_slice %arg8[%dma_start3A_137, %dma_start3A_138] : memref<40x128xi32, #tpu.memory_space<vmem>> -> memref<1x128xi32, #tpu.memory_space<vmem>>
      %dma_start3A_140 = tpu.memref_squeeze %dma_start3A_139 : memref<1x128xi32, #tpu.memory_space<vmem>> -> memref<128xi32, #tpu.memory_space<vmem>>
      %dma_start3A_141 = arith.constant 0 : i32
      %dma_start3A_142 = arith.constant 0 : i32
      %dma_start3A_143 = tpu.memref_slice %arg2[%dma_start3A_141, %dma_start3A_142] : memref<20000x128xf32, #tpu.memory_space<hbm>> -> memref<20000x128xf32, #tpu.memory_space<hbm>>
      tpu.enqueue_indirect_dma source(%dma_start3A_143 : memref<20000x128xf32, #tpu.memory_space<hbm>>) target(%arg10 : memref<128x128xf32, #tpu.memory_space<vmem>>) offsets(%dma_start3A_140 : memref<128xi32, #tpu.memory_space<vmem>>) semaphore(%arg12 : memref<!tpu.dma_semaphore, #tpu.memory_space<semaphore_mem>>)
      %dma_start3A_144 = arith.constant 1 : i32
      %dma_start3A_145 = arith.constant 0 : i32
      %dma_start3A_146 = tpu.memref_slice %arg8[%dma_start3A_144, %dma_start3A_145] : memref<40x128xi32, #tpu.memory_space<vmem>> -> memref<1x128xi32, #tpu.memory_space<vmem>>
      %dma_start3A_147 = tpu.memref_squeeze %dma_start3A_146 : memref<1x128xi32, #tpu.memory_space<vmem>> -> memref<128xi32, #tpu.memory_space<vmem>>
      %dma_start3A_148 = arith.constant 0 : i32
      %dma_start3A_149 = arith.constant 0 : i32
      %dma_start3A_150 = tpu.memref_slice %arg2[%dma_start3A_148, %dma_start3A_149] : memref<20000x128xf32, #tpu.memory_space<hbm>> -> memref<20000x128xf32, #tpu.memory_space<hbm>>
      tpu.enqueue_indirect_dma source(%dma_start3A_150 : memref<20000x128xf32, #tpu.memory_space<hbm>>) target(%arg11 : memref<128x128xf32, #tpu.memory_space<vmem>>) offsets(%dma_start3A_147 : memref<128xi32, #tpu.memory_space<vmem>>) semaphore(%arg13 : memref<!tpu.dma_semaphore, #tpu.memory_space<semaphore_mem>>)
      %scan3A_151 = arith.constant 0 : i32
      %scan3A_152 = arith.constant 0 : i32
      %scan3A_153 = arith.constant 19 : i32
      %scan3A_154 = arith.addi %scan3A_152, %scan3A_153 : i32
      %scan3A_155 = arith.constant 1 : i32
      scf.for %scan3A_199 = %scan3A_152 to %scan3A_154 step %scan3A_155  : i32 {
        %mul3A_200 = arith.constant 2 : i32
        %mul3A_201 = arith.muli %mul3A_200, %scan3A_199 : i32
        %dma_wait3A_202 = arith.constant 0 : i32
        %dma_wait3A_203 = tpu.memref_slice %arg8[%mul3A_201, %dma_wait3A_202] : memref<40x128xi32, #tpu.memory_space<vmem>> -> memref<1x128xi32, #tpu.memory_space<vmem>>
        %dma_wait3A_204 = tpu.memref_squeeze %dma_wait3A_203 : memref<1x128xi32, #tpu.memory_space<vmem>> -> memref<128xi32, #tpu.memory_space<vmem>>
        %dma_wait3A_205 = arith.constant 0 : i32
        %dma_wait3A_206 = arith.constant 0 : i32
        %dma_wait3A_207 = tpu.memref_slice %arg2[%dma_wait3A_205, %dma_wait3A_206] : memref<20000x128xf32, #tpu.memory_space<hbm>> -> memref<20000x128xf32, #tpu.memory_space<hbm>>
        tpu.wait_indirect_dma semaphore(%arg12 : memref<!tpu.dma_semaphore, #tpu.memory_space<semaphore_mem>>) src(%dma_wait3A_207 : memref<20000x128xf32, #tpu.memory_space<hbm>>) dst(%arg10 : memref<128x128xf32, #tpu.memory_space<vmem>>)
        %mul3A_208 = arith.constant 2 : i32
        %mul3A_209 = arith.muli %mul3A_208, %scan3A_199 : i32
        %dma_start3A_210 = arith.constant 0 : i32
        %dma_start3A_211 = tpu.memref_slice %arg9[%mul3A_209, %dma_start3A_210] : memref<40x128xi32, #tpu.memory_space<vmem>> -> memref<1x128xi32, #tpu.memory_space<vmem>>
        %dma_start3A_212 = tpu.memref_squeeze %dma_start3A_211 : memref<1x128xi32, #tpu.memory_space<vmem>> -> memref<128xi32, #tpu.memory_space<vmem>>
        %dma_start3A_213 = arith.constant 0 : i32
        %dma_start3A_214 = arith.constant 0 : i32
        %dma_start3A_215 = tpu.memref_slice %arg7[%dma_start3A_213, %dma_start3A_214] : memref<10240x128xf32, #tpu.memory_space<vmem_shared>> -> memref<10240x128xf32, #tpu.memory_space<vmem_shared>>
        tpu.enqueue_indirect_dma source(%arg10 : memref<128x128xf32, #tpu.memory_space<vmem>>) target(%dma_start3A_215 : memref<10240x128xf32, #tpu.memory_space<vmem_shared>>) offsets(%dma_start3A_212 : memref<128xi32, #tpu.memory_space<vmem>>) semaphore(%arg14 : memref<!tpu.dma_semaphore, #tpu.memory_space<semaphore_mem>>) {add = true}
        %mul3A_216 = arith.constant 2 : i32
        %mul3A_217 = arith.muli %mul3A_216, %scan3A_199 : i32
        %add3A_218 = arith.constant 1 : i32
        %add3A_219 = arith.addi %mul3A_217, %add3A_218 : i32
        %dma_wait3A_220 = arith.constant 0 : i32
        %dma_wait3A_221 = tpu.memref_slice %arg8[%add3A_219, %dma_wait3A_220] : memref<40x128xi32, #tpu.memory_space<vmem>> -> memref<1x128xi32, #tpu.memory_space<vmem>>
        %dma_wait3A_222 = tpu.memref_squeeze %dma_wait3A_221 : memref<1x128xi32, #tpu.memory_space<vmem>> -> memref<128xi32, #tpu.memory_space<vmem>>
        %dma_wait3A_223 = arith.constant 0 : i32
        %dma_wait3A_224 = arith.constant 0 : i32
        %dma_wait3A_225 = tpu.memref_slice %arg2[%dma_wait3A_223, %dma_wait3A_224] : memref<20000x128xf32, #tpu.memory_space<hbm>> -> memref<20000x128xf32, #tpu.memory_space<hbm>>
        tpu.wait_indirect_dma semaphore(%arg13 : memref<!tpu.dma_semaphore, #tpu.memory_space<semaphore_mem>>) src(%dma_wait3A_225 : memref<20000x128xf32, #tpu.memory_space<hbm>>) dst(%arg11 : memref<128x128xf32, #tpu.memory_space<vmem>>)
        %mul3A_226 = arith.constant 2 : i32
        %mul3A_227 = arith.muli %mul3A_226, %scan3A_199 : i32
        %add3A_228 = arith.constant 1 : i32
        %add3A_229 = arith.addi %mul3A_227, %add3A_228 : i32
        %dma_start3A_230 = arith.constant 0 : i32
        %dma_start3A_231 = tpu.memref_slice %arg9[%add3A_229, %dma_start3A_230] : memref<40x128xi32, #tpu.memory_space<vmem>> -> memref<1x128xi32, #tpu.memory_space<vmem>>
        %dma_start3A_232 = tpu.memref_squeeze %dma_start3A_231 : memref<1x128xi32, #tpu.memory_space<vmem>> -> memref<128xi32, #tpu.memory_space<vmem>>
        %dma_start3A_233 = arith.constant 0 : i32
        %dma_start3A_234 = arith.constant 0 : i32
        %dma_start3A_235 = tpu.memref_slice %arg7[%dma_start3A_233, %dma_start3A_234] : memref<10240x128xf32, #tpu.memory_space<vmem_shared>> -> memref<10240x128xf32, #tpu.memory_space<vmem_shared>>
        tpu.enqueue_indirect_dma source(%arg11 : memref<128x128xf32, #tpu.memory_space<vmem>>) target(%dma_start3A_235 : memref<10240x128xf32, #tpu.memory_space<vmem_shared>>) offsets(%dma_start3A_232 : memref<128xi32, #tpu.memory_space<vmem>>) semaphore(%arg15 : memref<!tpu.dma_semaphore, #tpu.memory_space<semaphore_mem>>) {add = true}
        %mul3A_236 = arith.constant 2 : i32
        %mul3A_237 = arith.muli %mul3A_236, %scan3A_199 : i32
        %dma_wait3A_238 = arith.constant 0 : i32
        %dma_wait3A_239 = tpu.memref_slice %arg9[%mul3A_237, %dma_wait3A_238] : memref<40x128xi32, #tpu.memory_space<vmem>> -> memref<1x128xi32, #tpu.memory_space<vmem>>
        %dma_wait3A_240 = tpu.memref_squeeze %dma_wait3A_239 : memref<1x128xi32, #tpu.memory_space<vmem>> -> memref<128xi32, #tpu.memory_space<vmem>>
        %dma_wait3A_241 = arith.constant 0 : i32
        %dma_wait3A_242 = arith.constant 0 : i32
        %dma_wait3A_243 = tpu.memref_slice %arg7[%dma_wait3A_241, %dma_wait3A_242] : memref<10240x128xf32, #tpu.memory_space<vmem_shared>> -> memref<10240x128xf32, #tpu.memory_space<vmem_shared>>
        tpu.wait_indirect_dma semaphore(%arg14 : memref<!tpu.dma_semaphore, #tpu.memory_space<semaphore_mem>>) src(%arg10 : memref<128x128xf32, #tpu.memory_space<vmem>>) dst(%dma_wait3A_243 : memref<10240x128xf32, #tpu.memory_space<vmem_shared>>)
        %mul3A_244 = arith.constant 2 : i32
        %mul3A_245 = arith.muli %mul3A_244, %scan3A_199 : i32
        %add3A_246 = arith.constant 2 : i32
        %add3A_247 = arith.addi %mul3A_245, %add3A_246 : i32
        %dma_start3A_248 = arith.constant 0 : i32
        %dma_start3A_249 = tpu.memref_slice %arg8[%add3A_247, %dma_start3A_248] : memref<40x128xi32, #tpu.memory_space<vmem>> -> memref<1x128xi32, #tpu.memory_space<vmem>>
        %dma_start3A_250 = tpu.memref_squeeze %dma_start3A_249 : memref<1x128xi32, #tpu.memory_space<vmem>> -> memref<128xi32, #tpu.memory_space<vmem>>
        %dma_start3A_251 = arith.constant 0 : i32
        %dma_start3A_252 = arith.constant 0 : i32
        %dma_start3A_253 = tpu.memref_slice %arg2[%dma_start3A_251, %dma_start3A_252] : memref<20000x128xf32, #tpu.memory_space<hbm>> -> memref<20000x128xf32, #tpu.memory_space<hbm>>
        tpu.enqueue_indirect_dma source(%dma_start3A_253 : memref<20000x128xf32, #tpu.memory_space<hbm>>) target(%arg10 : memref<128x128xf32, #tpu.memory_space<vmem>>) offsets(%dma_start3A_250 : memref<128xi32, #tpu.memory_space<vmem>>) semaphore(%arg12 : memref<!tpu.dma_semaphore, #tpu.memory_space<semaphore_mem>>)
        %mul3A_254 = arith.constant 2 : i32
        %mul3A_255 = arith.muli %mul3A_254, %scan3A_199 : i32
        %add3A_256 = arith.constant 1 : i32
        %add3A_257 = arith.addi %mul3A_255, %add3A_256 : i32
        %dma_wait3A_258 = arith.constant 0 : i32
        %dma_wait3A_259 = tpu.memref_slice %arg9[%add3A_257, %dma_wait3A_258] : memref<40x128xi32, #tpu.memory_space<vmem>> -> memref<1x128xi32, #tpu.memory_space<vmem>>
        %dma_wait3A_260 = tpu.memref_squeeze %dma_wait3A_259 : memref<1x128xi32, #tpu.memory_space<vmem>> -> memref<128xi32, #tpu.memory_space<vmem>>
        %dma_wait3A_261 = arith.constant 0 : i32
        %dma_wait3A_262 = arith.constant 0 : i32
        %dma_wait3A_263 = tpu.memref_slice %arg7[%dma_wait3A_261, %dma_wait3A_262] : memref<10240x128xf32, #tpu.memory_space<vmem_shared>> -> memref<10240x128xf32, #tpu.memory_space<vmem_shared>>
        tpu.wait_indirect_dma semaphore(%arg15 : memref<!tpu.dma_semaphore, #tpu.memory_space<semaphore_mem>>) src(%arg11 : memref<128x128xf32, #tpu.memory_space<vmem>>) dst(%dma_wait3A_263 : memref<10240x128xf32, #tpu.memory_space<vmem_shared>>)
        %mul3A_264 = arith.constant 2 : i32
        %mul3A_265 = arith.muli %mul3A_264, %scan3A_199 : i32
        %add3A_266 = arith.constant 3 : i32
        %add3A_267 = arith.addi %mul3A_265, %add3A_266 : i32
        %dma_start3A_268 = arith.constant 0 : i32
        %dma_start3A_269 = tpu.memref_slice %arg8[%add3A_267, %dma_start3A_268] : memref<40x128xi32, #tpu.memory_space<vmem>> -> memref<1x128xi32, #tpu.memory_space<vmem>>
        %dma_start3A_270 = tpu.memref_squeeze %dma_start3A_269 : memref<1x128xi32, #tpu.memory_space<vmem>> -> memref<128xi32, #tpu.memory_space<vmem>>
        %dma_start3A_271 = arith.constant 0 : i32
        %dma_start3A_272 = arith.constant 0 : i32
        %dma_start3A_273 = tpu.memref_slice %arg2[%dma_start3A_271, %dma_start3A_272] : memref<20000x128xf32, #tpu.memory_space<hbm>> -> memref<20000x128xf32, #tpu.memory_space<hbm>>
        tpu.enqueue_indirect_dma source(%dma_start3A_273 : memref<20000x128xf32, #tpu.memory_space<hbm>>) target(%arg11 : memref<128x128xf32, #tpu.memory_space<vmem>>) offsets(%dma_start3A_270 : memref<128xi32, #tpu.memory_space<vmem>>) semaphore(%arg13 : memref<!tpu.dma_semaphore, #tpu.memory_space<semaphore_mem>>)
      }
      %scan3A_156 = arith.constant 19 : i32
      %dma_wait3A_157 = arith.constant 38 : i32
      %dma_wait3A_158 = arith.constant 0 : i32
      %dma_wait3A_159 = tpu.memref_slice %arg8[%dma_wait3A_157, %dma_wait3A_158] : memref<40x128xi32, #tpu.memory_space<vmem>> -> memref<1x128xi32, #tpu.memory_space<vmem>>
      %dma_wait3A_160 = tpu.memref_squeeze %dma_wait3A_159 : memref<1x128xi32, #tpu.memory_space<vmem>> -> memref<128xi32, #tpu.memory_space<vmem>>
      %dma_wait3A_161 = arith.constant 0 : i32
      %dma_wait3A_162 = arith.constant 0 : i32
      %dma_wait3A_163 = tpu.memref_slice %arg2[%dma_wait3A_161, %dma_wait3A_162] : memref<20000x128xf32, #tpu.memory_space<hbm>> -> memref<20000x128xf32, #tpu.memory_space<hbm>>
      tpu.wait_indirect_dma semaphore(%arg12 : memref<!tpu.dma_semaphore, #tpu.memory_space<semaphore_mem>>) src(%dma_wait3A_163 : memref<20000x128xf32, #tpu.memory_space<hbm>>) dst(%arg10 : memref<128x128xf32, #tpu.memory_space<vmem>>)
      %dma_start3A_164 = arith.constant 38 : i32
      %dma_start3A_165 = arith.constant 0 : i32
      %dma_start3A_166 = tpu.memref_slice %arg9[%dma_start3A_164, %dma_start3A_165] : memref<40x128xi32, #tpu.memory_space<vmem>> -> memref<1x128xi32, #tpu.memory_space<vmem>>
      %dma_start3A_167 = tpu.memref_squeeze %dma_start3A_166 : memref<1x128xi32, #tpu.memory_space<vmem>> -> memref<128xi32, #tpu.memory_space<vmem>>
      %dma_start3A_168 = arith.constant 0 : i32
      %dma_start3A_169 = arith.constant 0 : i32
      %dma_start3A_170 = tpu.memref_slice %arg7[%dma_start3A_168, %dma_start3A_169] : memref<10240x128xf32, #tpu.memory_space<vmem_shared>> -> memref<10240x128xf32, #tpu.memory_space<vmem_shared>>
      tpu.enqueue_indirect_dma source(%arg10 : memref<128x128xf32, #tpu.memory_space<vmem>>) target(%dma_start3A_170 : memref<10240x128xf32, #tpu.memory_space<vmem_shared>>) offsets(%dma_start3A_167 : memref<128xi32, #tpu.memory_space<vmem>>) semaphore(%arg14 : memref<!tpu.dma_semaphore, #tpu.memory_space<semaphore_mem>>) {add = true}
      %dma_wait3A_171 = arith.constant 39 : i32
      %dma_wait3A_172 = arith.constant 0 : i32
      %dma_wait3A_173 = tpu.memref_slice %arg8[%dma_wait3A_171, %dma_wait3A_172] : memref<40x128xi32, #tpu.memory_space<vmem>> -> memref<1x128xi32, #tpu.memory_space<vmem>>
      %dma_wait3A_174 = tpu.memref_squeeze %dma_wait3A_173 : memref<1x128xi32, #tpu.memory_space<vmem>> -> memref<128xi32, #tpu.memory_space<vmem>>
      %dma_wait3A_175 = arith.constant 0 : i32
      %dma_wait3A_176 = arith.constant 0 : i32
      %dma_wait3A_177 = tpu.memref_slice %arg2[%dma_wait3A_175, %dma_wait3A_176] : memref<20000x128xf32, #tpu.memory_space<hbm>> -> memref<20000x128xf32, #tpu.memory_space<hbm>>
      tpu.wait_indirect_dma semaphore(%arg13 : memref<!tpu.dma_semaphore, #tpu.memory_space<semaphore_mem>>) src(%dma_wait3A_177 : memref<20000x128xf32, #tpu.memory_space<hbm>>) dst(%arg11 : memref<128x128xf32, #tpu.memory_space<vmem>>)
      %dma_start3A_178 = arith.constant 39 : i32
      %dma_start3A_179 = arith.constant 0 : i32
      %dma_start3A_180 = tpu.memref_slice %arg9[%dma_start3A_178, %dma_start3A_179] : memref<40x128xi32, #tpu.memory_space<vmem>> -> memref<1x128xi32, #tpu.memory_space<vmem>>
      %dma_start3A_181 = tpu.memref_squeeze %dma_start3A_180 : memref<1x128xi32, #tpu.memory_space<vmem>> -> memref<128xi32, #tpu.memory_space<vmem>>
      %dma_start3A_182 = arith.constant 0 : i32
      %dma_start3A_183 = arith.constant 0 : i32
      %dma_start3A_184 = tpu.memref_slice %arg7[%dma_start3A_182, %dma_start3A_183] : memref<10240x128xf32, #tpu.memory_space<vmem_shared>> -> memref<10240x128xf32, #tpu.memory_space<vmem_shared>>
      tpu.enqueue_indirect_dma source(%arg11 : memref<128x128xf32, #tpu.memory_space<vmem>>) target(%dma_start3A_184 : memref<10240x128xf32, #tpu.memory_space<vmem_shared>>) offsets(%dma_start3A_181 : memref<128xi32, #tpu.memory_space<vmem>>) semaphore(%arg15 : memref<!tpu.dma_semaphore, #tpu.memory_space<semaphore_mem>>) {add = true}
      %dma_wait3A_185 = arith.constant 38 : i32
      %dma_wait3A_186 = arith.constant 0 : i32
      %dma_wait3A_187 = tpu.memref_slice %arg9[%dma_wait3A_185, %dma_wait3A_186] : memref<40x128xi32, #tpu.memory_space<vmem>> -> memref<1x128xi32, #tpu.memory_space<vmem>>
      %dma_wait3A_188 = tpu.memref_squeeze %dma_wait3A_187 : memref<1x128xi32, #tpu.memory_space<vmem>> -> memref<128xi32, #tpu.memory_space<vmem>>
      %dma_wait3A_189 = arith.constant 0 : i32
      %dma_wait3A_190 = arith.constant 0 : i32
      %dma_wait3A_191 = tpu.memref_slice %arg7[%dma_wait3A_189, %dma_wait3A_190] : memref<10240x128xf32, #tpu.memory_space<vmem_shared>> -> memref<10240x128xf32, #tpu.memory_space<vmem_shared>>
      tpu.wait_indirect_dma semaphore(%arg14 : memref<!tpu.dma_semaphore, #tpu.memory_space<semaphore_mem>>) src(%arg10 : memref<128x128xf32, #tpu.memory_space<vmem>>) dst(%dma_wait3A_191 : memref<10240x128xf32, #tpu.memory_space<vmem_shared>>)
      %dma_wait3A_192 = arith.constant 39 : i32
      %dma_wait3A_193 = arith.constant 0 : i32
      %dma_wait3A_194 = tpu.memref_slice %arg9[%dma_wait3A_192, %dma_wait3A_193] : memref<40x128xi32, #tpu.memory_space<vmem>> -> memref<1x128xi32, #tpu.memory_space<vmem>>
      %dma_wait3A_195 = tpu.memref_squeeze %dma_wait3A_194 : memref<1x128xi32, #tpu.memory_space<vmem>> -> memref<128xi32, #tpu.memory_space<vmem>>
      %dma_wait3A_196 = arith.constant 0 : i32
      %dma_wait3A_197 = arith.constant 0 : i32
      %dma_wait3A_198 = tpu.memref_slice %arg7[%dma_wait3A_196, %dma_wait3A_197] : memref<10240x128xf32, #tpu.memory_space<vmem_shared>> -> memref<10240x128xf32, #tpu.memory_space<vmem_shared>>
      tpu.wait_indirect_dma semaphore(%arg15 : memref<!tpu.dma_semaphore, #tpu.memory_space<semaphore_mem>>) src(%arg11 : memref<128x128xf32, #tpu.memory_space<vmem>>) dst(%dma_wait3A_198 : memref<10240x128xf32, #tpu.memory_space<vmem_shared>>)
    }
    %scan3A_123 = arith.constant 4 : i32
    %barrier3A_124 = arith.constant 0 : index
    tpu.barrier barrier_id(%barrier3A_124)
    %mul3A_125 = arith.constant 640 : i32
    %mul3A_126 = arith.muli %arg1, %mul3A_125 : i32
    %mul3A_127 = arith.constant 10240 : i32
    %mul3A_128 = arith.muli %arg0, %mul3A_127 : i32
    %mul3A_129 = arith.constant 640 : i32
    %mul3A_130 = arith.muli %arg1, %mul3A_129 : i32
    %add3A_131 = arith.addi %mul3A_128, %mul3A_130 : i32
    "tpu.region"() ({
      %run_scoped3A = tpu.sem_alloc : memref<!tpu.dma_semaphore, #tpu.memory_space<semaphore_mem>>
      %dma_start3A_132 = arith.constant 0 : i32
      %dma_start3A_133 = tpu.memref_slice %arg6[%add3A_131, %dma_start3A_132] : memref<20480x128xf32, #tpu.memory_space<hbm>> -> memref<640x128xf32, #tpu.memory_space<hbm>>
      %dma_start3A_134 = arith.constant 0 : i32
      %dma_start3A_135 = tpu.memref_slice %arg7[%mul3A_126, %dma_start3A_134] : memref<10240x128xf32, #tpu.memory_space<vmem_shared>> -> memref<640x128xf32, #tpu.memory_space<vmem_shared>>
      tpu.enqueue_dma source(%dma_start3A_135 : memref<640x128xf32, #tpu.memory_space<vmem_shared>>) target(%dma_start3A_133 : memref<640x128xf32, #tpu.memory_space<hbm>>) target_semaphore(%run_scoped3A : memref<!tpu.dma_semaphore, #tpu.memory_space<semaphore_mem>>)
      %dma_wait3A_136 = arith.constant 0 : i32
      %dma_wait3A_137 = tpu.memref_slice %arg6[%add3A_131, %dma_wait3A_136] : memref<20480x128xf32, #tpu.memory_space<hbm>> -> memref<640x128xf32, #tpu.memory_space<hbm>>
      %dma_wait3A_138 = arith.constant 0 : i32
      %dma_wait3A_139 = tpu.memref_slice %arg7[%mul3A_126, %dma_wait3A_138] : memref<10240x128xf32, #tpu.memory_space<vmem_shared>> -> memref<640x128xf32, #tpu.memory_space<vmem_shared>>
      tpu.wait_dma2 semaphore(%run_scoped3A : memref<!tpu.dma_semaphore, #tpu.memory_space<semaphore_mem>>) src(%dma_wait3A_139 : memref<640x128xf32, #tpu.memory_space<vmem_shared>>) dst(%dma_wait3A_137 : memref<640x128xf32, #tpu.memory_space<hbm>>)
      tpu.yield
    }) : () -> ()
    return
  }
}

module attributes {stable_mosaic.version = 14 : i64} {
  func.func @_xw_body(%arg0: i32, %arg1: memref<1000x128xf32, #tpu.memory_space<vmem>>, %arg2: memref<1000x128xf32, #tpu.memory_space<vmem>>, %arg3: memref<128x128xf32, #tpu.memory_space<vmem>>, %arg4: memref<2x1000x128xf32, #tpu.memory_space<vmem>>) attributes {dimension_semantics = [#tpu.dimension_semantics<arbitrary>], iteration_bounds = array<i64: 10>, scalar_prefetch = 0 : i64, scratch_operands = 0 : i64, tpu.core_type = #tpu.core_type<tc>, window_params = [{transform_indices = @transform_0, window_bounds = array<i64: 1000, 128>}, {transform_indices = @transform_1, window_bounds = array<i64: 1000, 128>}, {pipeline_mode = #tpu.pipeline_mode<synchronous>, transform_indices = @transform_2, window_bounds = array<i64: 128, 128>}, {transform_indices = @transform_3, window_bounds = array<i64: 2, 1000, 128>}]} {
    %get3A = arith.constant 0 : index
    %get3A_0 = arith.constant 0 : index
    %get3A_1 = vector.load %arg3[%get3A, %get3A_0] : memref<128x128xf32, #tpu.memory_space<vmem>>, vector<128x128xf32>
    %get3A_2 = arith.constant 0 : index
    %get3A_3 = arith.constant 0 : index
    %get3A_4 = vector.load %arg1[%get3A_2, %get3A_3] : memref<1000x128xf32, #tpu.memory_space<vmem>>, vector<1000x128xf32>
    %dot_general3A = arith.constant dense<0.000000e+00> : vector<1000x128xf32>
    %dot_general3A_5 = tpu.matmul %get3A_4, %get3A_1, %dot_general3A {dimension_numbers = #tpu.dot_dimension_numbers<[1], [0], [0], [1], [0, 0, 1, 1], [], []>, transpose_lhs_hint = false} : vector<1000x128xf32>, vector<128x128xf32>, vector<1000x128xf32> -> vector<1000x128xf32>
    %swap3A = arith.constant 0 : index
    %swap3A_6 = arith.constant 0 : index
    %swap3A_7 = arith.constant 0 : index
    %swap3A_8 = vector.load %arg4[%swap3A, %swap3A_6, %swap3A_7] : memref<2x1000x128xf32, #tpu.memory_space<vmem>>, vector<1x1000x128xf32>
    %swap3A_9 = vector.shape_cast %swap3A_8 : vector<1x1000x128xf32> to vector<1000x128xf32>
    %swap3A_10 = vector.shape_cast %dot_general3A_5 : vector<1000x128xf32> to vector<1x1000x128xf32>
    tpu.vector_store %arg4[%swap3A, %swap3A_6, %swap3A_7], %swap3A_10 {strides = array<i32>} : memref<2x1000x128xf32, #tpu.memory_space<vmem>>, vector<1x1000x128xf32>,
    %get3A_11 = arith.constant 0 : index
    %get3A_12 = arith.constant 0 : index
    %get3A_13 = vector.load %arg2[%get3A_11, %get3A_12] : memref<1000x128xf32, #tpu.memory_space<vmem>>, vector<1000x128xf32>
    %dot_general3A_14 = arith.constant dense<0.000000e+00> : vector<1000x128xf32>
    %dot_general3A_15 = tpu.matmul %get3A_13, %get3A_1, %dot_general3A_14 {dimension_numbers = #tpu.dot_dimension_numbers<[1], [0], [0], [1], [0, 0, 1, 1], [], []>, transpose_lhs_hint = false} : vector<1000x128xf32>, vector<128x128xf32>, vector<1000x128xf32> -> vector<1000x128xf32>
    %swap3A_16 = arith.constant 1 : index
    %swap3A_17 = arith.constant 0 : index
    %swap3A_18 = arith.constant 0 : index
    %swap3A_19 = vector.load %arg4[%swap3A_16, %swap3A_17, %swap3A_18] : memref<2x1000x128xf32, #tpu.memory_space<vmem>>, vector<1x1000x128xf32>
    %swap3A_20 = vector.shape_cast %swap3A_19 : vector<1x1000x128xf32> to vector<1000x128xf32>
    %swap3A_21 = vector.shape_cast %dot_general3A_15 : vector<1000x128xf32> to vector<1x1000x128xf32>
    tpu.vector_store %arg4[%swap3A_16, %swap3A_17, %swap3A_18], %swap3A_21 {strides = array<i32>} : memref<2x1000x128xf32, #tpu.memory_space<vmem>>, vector<1x1000x128xf32>,
    return
  }
  func.func @transform_0(%arg0: i32) -> (i32, i32) {
    %c0_i32 = arith.constant 0 : i32
    %c0_i32_0 = arith.constant 0 : i32
    return %arg0, %c0_i32 : i32, i32
  }
  func.func @transform_1(%arg0: i32) -> (i32, i32) {
    %c0_i32 = arith.constant 0 : i32
    %c0_i32_0 = arith.constant 0 : i32
    return %arg0, %c0_i32 : i32, i32
  }
  func.func @transform_2(%arg0: i32) -> (i32, i32) {
    %c0_i32 = arith.constant 0 : i32
    %c0_i32_0 = arith.constant 0 : i32
    %c0_i32_1 = arith.constant 0 : i32
    return %c0_i32, %c0_i32_0 : i32, i32
  }
  func.func @transform_3(%arg0: i32) -> (i32, i32, i32) {
    %c0_i32 = arith.constant 0 : i32
    %c0_i32_0 = arith.constant 0 : i32
    %c0_i32_1 = arith.constant 0 : i32
    return %c0_i32, %arg0, %c0_i32_0 : i32, i32, i32
  }
}

module attributes {stable_mosaic.version = 14 : i64} {
  func.func @_y_body(%arg0: i32, %arg1: memref<2x1000x128xf32, #tpu.memory_space<vmem>>, %arg2: memref<2x1000x1xf32, #tpu.memory_space<vmem>>, %arg3: memref<2x1000x128xf32, #tpu.memory_space<vmem>>, %arg4: memref<1000x1xf32, #tpu.memory_space<vmem>>) attributes {dimension_semantics = [#tpu.dimension_semantics<arbitrary>], iteration_bounds = array<i64: 10>, scalar_prefetch = 0 : i64, scratch_operands = 0 : i64, tpu.core_type = #tpu.core_type<tc>, window_params = [{transform_indices = @transform_0, window_bounds = array<i64: 2, 1000, 128>}, {transform_indices = @transform_1, window_bounds = array<i64: 2, 1000, 1>}, {transform_indices = @transform_2, window_bounds = array<i64: 2, 1000, 128>}, {transform_indices = @transform_3, window_bounds = array<i64: 1000, 1>}]} {
    %get3A = arith.constant 0 : index
    %get3A_0 = arith.constant 0 : index
    %get3A_1 = arith.constant 0 : index
    %get3A_2 = vector.load %arg2[%get3A, %get3A_0, %get3A_1] : memref<2x1000x1xf32, #tpu.memory_space<vmem>>, vector<1x1000x1xf32>
    %get3A_3 = vector.shape_cast %get3A_2 : vector<1x1000x1xf32> to vector<1000x1xf32>
    %get3A_4 = arith.constant 1 : index
    %get3A_5 = arith.constant 0 : index
    %get3A_6 = arith.constant 0 : index
    %get3A_7 = vector.load %arg2[%get3A_4, %get3A_5, %get3A_6] : memref<2x1000x1xf32, #tpu.memory_space<vmem>>, vector<1x1000x1xf32>
    %get3A_8 = vector.shape_cast %get3A_7 : vector<1x1000x1xf32> to vector<1000x1xf32>
    %add3A = arith.addf %get3A_3, %get3A_8 : vector<1000x1xf32>
    %add3A_9 = arith.constant 1.000000e+00 : f32
    %add3A_10 = vector.broadcast %add3A_9 : f32 to vector<1000x1xf32>
    %add3A_11 = arith.addf %add3A, %add3A_10 : vector<1000x1xf32>
    %rsqrt3A = math.rsqrt %add3A_11 : vector<1000x1xf32>
    %swap3A = arith.constant 0 : index
    %swap3A_12 = arith.constant 0 : index
    %swap3A_13 = vector.load %arg4[%swap3A, %swap3A_12] : memref<1000x1xf32, #tpu.memory_space<vmem>>, vector<1000x1xf32>
    tpu.vector_store %arg4[%swap3A, %swap3A_12], %rsqrt3A {strides = array<i32>} : memref<1000x1xf32, #tpu.memory_space<vmem>>, vector<1000x1xf32>,
    %get3A_14 = arith.constant 0 : index
    %get3A_15 = arith.constant 0 : index
    %get3A_16 = arith.constant 0 : index
    %get3A_17 = vector.load %arg1[%get3A_14, %get3A_15, %get3A_16] : memref<2x1000x128xf32, #tpu.memory_space<vmem>>, vector<1x1000x128xf32>
    %get3A_18 = vector.shape_cast %get3A_17 : vector<1x1000x128xf32> to vector<1000x128xf32>
    %mul3A = vector.broadcast %rsqrt3A : vector<1000x1xf32> to vector<1000x128xf32>
    %mul3A_19 = arith.mulf %get3A_18, %mul3A : vector<1000x128xf32>
    %swap3A_20 = arith.constant 0 : index
    %swap3A_21 = arith.constant 0 : index
    %swap3A_22 = arith.constant 0 : index
    %swap3A_23 = vector.load %arg3[%swap3A_20, %swap3A_21, %swap3A_22] : memref<2x1000x128xf32, #tpu.memory_space<vmem>>, vector<1x1000x128xf32>
    %swap3A_24 = vector.shape_cast %swap3A_23 : vector<1x1000x128xf32> to vector<1000x128xf32>
    %swap3A_25 = vector.shape_cast %mul3A_19 : vector<1000x128xf32> to vector<1x1000x128xf32>
    tpu.vector_store %arg3[%swap3A_20, %swap3A_21, %swap3A_22], %swap3A_25 {strides = array<i32>} : memref<2x1000x128xf32, #tpu.memory_space<vmem>>, vector<1x1000x128xf32>,
    %get3A_26 = arith.constant 1 : index
    %get3A_27 = arith.constant 0 : index
    %get3A_28 = arith.constant 0 : index
    %get3A_29 = vector.load %arg1[%get3A_26, %get3A_27, %get3A_28] : memref<2x1000x128xf32, #tpu.memory_space<vmem>>, vector<1x1000x128xf32>
    %get3A_30 = vector.shape_cast %get3A_29 : vector<1x1000x128xf32> to vector<1000x128xf32>
    %mul3A_31 = vector.broadcast %rsqrt3A : vector<1000x1xf32> to vector<1000x128xf32>
    %mul3A_32 = arith.mulf %get3A_30, %mul3A_31 : vector<1000x128xf32>
    %swap3A_33 = arith.constant 1 : index
    %swap3A_34 = arith.constant 0 : index
    %swap3A_35 = arith.constant 0 : index
    %swap3A_36 = vector.load %arg3[%swap3A_33, %swap3A_34, %swap3A_35] : memref<2x1000x128xf32, #tpu.memory_space<vmem>>, vector<1x1000x128xf32>
    %swap3A_37 = vector.shape_cast %swap3A_36 : vector<1x1000x128xf32> to vector<1000x128xf32>
    %swap3A_38 = vector.shape_cast %mul3A_32 : vector<1000x128xf32> to vector<1x1000x128xf32>
    tpu.vector_store %arg3[%swap3A_33, %swap3A_34, %swap3A_35], %swap3A_38 {strides = array<i32>} : memref<2x1000x128xf32, #tpu.memory_space<vmem>>, vector<1x1000x128xf32>,
    return
  }
  func.func @transform_0(%arg0: i32) -> (i32, i32, i32) {
    %c0_i32 = arith.constant 0 : i32
    %c0_i32_0 = arith.constant 0 : i32
    %c0_i32_1 = arith.constant 0 : i32
    return %c0_i32, %arg0, %c0_i32_0 : i32, i32, i32
  }
  func.func @transform_1(%arg0: i32) -> (i32, i32, i32) {
    %c0_i32 = arith.constant 0 : i32
    %c0_i32_0 = arith.constant 0 : i32
    %c0_i32_1 = arith.constant 0 : i32
    return %c0_i32, %arg0, %c0_i32_0 : i32, i32, i32
  }
  func.func @transform_2(%arg0: i32) -> (i32, i32, i32) {
    %c0_i32 = arith.constant 0 : i32
    %c0_i32_0 = arith.constant 0 : i32
    %c0_i32_1 = arith.constant 0 : i32
    return %c0_i32, %arg0, %c0_i32_0 : i32, i32, i32
  }
  func.func @transform_3(%arg0: i32) -> (i32, i32) {
    %c0_i32 = arith.constant 0 : i32
    %c0_i32_0 = arith.constant 0 : i32
    return %arg0, %c0_i32 : i32, i32
  }
}

module attributes {stable_mosaic.version = 14 : i64} {
  func.func @_epi_body(%arg0: i32, %arg1: memref<2x1000x128xf32, #tpu.memory_space<vmem>>, %arg2: memref<2x1000x128xf32, #tpu.memory_space<vmem>>, %arg3: memref<1000x1xf32, #tpu.memory_space<vmem>>, %arg4: memref<1x128xf32, #tpu.memory_space<vmem>>, %arg5: memref<1x1xf32, #tpu.memory_space<smem>>, %arg6: memref<128x128xf32, #tpu.memory_space<vmem>>, %arg7: memref<1x1xf32, #tpu.memory_space<smem>>, %arg8: memref<2x10000xf32, #tpu.memory_space<vmem>>, %arg9: memref<10000x128xf32, #tpu.memory_space<vmem>>, %arg10: memref<10000x128xf32, #tpu.memory_space<vmem>>, %arg11: memref<1x128xf32, #tpu.memory_space<vmem>>) attributes {dimension_semantics = [#tpu.dimension_semantics<arbitrary>], iteration_bounds = array<i64: 10>, scalar_prefetch = 0 : i64, scratch_operands = 3 : i64, tpu.core_type = #tpu.core_type<tc>, window_params = [{transform_indices = @transform_0, window_bounds = array<i64: 2, 1000, 128>}, {transform_indices = @transform_1, window_bounds = array<i64: 2, 1000, 128>}, {transform_indices = @transform_2, window_bounds = array<i64: 1000, 1>}, {pipeline_mode = #tpu.pipeline_mode<synchronous>, transform_indices = @transform_3, window_bounds = array<i64: 1, 128>}, {transform_indices = @transform_4, window_bounds = array<i64: 1, 1>}, {pipeline_mode = #tpu.pipeline_mode<synchronous>, transform_indices = @transform_5, window_bounds = array<i64: 128, 128>}, {transform_indices = @transform_6, window_bounds = array<i64: 1, 1>}, {pipeline_mode = #tpu.pipeline_mode<synchronous>, transform_indices = @transform_7, window_bounds = array<i64: 2, 10000>}]} {
    %get3A = arith.constant 0 : index
    %get3A_0 = arith.constant 0 : index
    %get3A_1 = memref.load %arg5[%get3A, %get3A_0] : memref<1x1xf32, #tpu.memory_space<smem>>
    %get3A_2 = arith.constant 0 : index
    %get3A_3 = arith.constant 0 : index
    %get3A_4 = vector.load %arg3[%get3A_2, %get3A_3] : memref<1000x1xf32, #tpu.memory_space<vmem>>, vector<1000x1xf32>
    %get3A_5 = arith.constant 0 : index
    %get3A_6 = arith.constant 0 : index
    %get3A_7 = vector.load %arg4[%get3A_5, %get3A_6] : memref<1x128xf32, #tpu.memory_space<vmem>>, vector<1x128xf32>
    %get3A_8 = arith.constant 0 : index
    %get3A_9 = arith.constant 0 : index
    %get3A_10 = arith.constant 0 : index
    %get3A_11 = vector.load %arg1[%get3A_8, %get3A_9, %get3A_10] : memref<2x1000x128xf32, #tpu.memory_space<vmem>>, vector<1x1000x128xf32>
    %get3A_12 = vector.shape_cast %get3A_11 : vector<1x1000x128xf32> to vector<1000x128xf32>
    %get3A_13 = arith.constant 0 : index
    %get3A_14 = arith.constant 0 : index
    %get3A_15 = arith.constant 0 : index
    %get3A_16 = vector.load %arg2[%get3A_13, %get3A_14, %get3A_15] : memref<2x1000x128xf32, #tpu.memory_space<vmem>>, vector<1x1000x128xf32>
    %get3A_17 = vector.shape_cast %get3A_16 : vector<1x1000x128xf32> to vector<1000x128xf32>
    %add3A = arith.addf %get3A_12, %get3A_17 : vector<1000x128xf32>
    %mul3A = vector.broadcast %get3A_4 : vector<1000x1xf32> to vector<1000x128xf32>
    %mul3A_18 = arith.mulf %mul3A, %add3A : vector<1000x128xf32>
    %add3A_19 = vector.broadcast %get3A_7 : vector<1x128xf32> to vector<1000x128xf32>
    %add3A_20 = arith.addf %mul3A_18, %add3A_19 : vector<1000x128xf32>
    %ge3A = arith.constant 0.000000e+00 : f32
    %ge3A_21 = vector.broadcast %ge3A : f32 to vector<1000x128xf32>
    %ge3A_22 = arith.cmpf oge, %add3A_20, %ge3A_21 : vector<1000x128xf32>
    %mul3A_23 = vector.broadcast %get3A_1 : f32 to vector<1000x128xf32>
    %mul3A_24 = arith.mulf %mul3A_23, %add3A_20 : vector<1000x128xf32>
    %select_n3A = arith.select %ge3A_22, %add3A_20, %mul3A_24 : vector<1000x128xi1>, vector<1000x128xf32>
    %get3A_25 = arith.constant 1 : index
    %get3A_26 = arith.constant 0 : index
    %get3A_27 = arith.constant 0 : index
    %get3A_28 = vector.load %arg1[%get3A_25, %get3A_26, %get3A_27] : memref<2x1000x128xf32, #tpu.memory_space<vmem>>, vector<1x1000x128xf32>
    %get3A_29 = vector.shape_cast %get3A_28 : vector<1x1000x128xf32> to vector<1000x128xf32>
    %get3A_30 = arith.constant 1 : index
    %get3A_31 = arith.constant 0 : index
    %get3A_32 = arith.constant 0 : index
    %get3A_33 = vector.load %arg2[%get3A_30, %get3A_31, %get3A_32] : memref<2x1000x128xf32, #tpu.memory_space<vmem>>, vector<1x1000x128xf32>
    %get3A_34 = vector.shape_cast %get3A_33 : vector<1x1000x128xf32> to vector<1000x128xf32>
    %add3A_35 = arith.addf %get3A_29, %get3A_34 : vector<1000x128xf32>
    %mul3A_36 = vector.broadcast %get3A_4 : vector<1000x1xf32> to vector<1000x128xf32>
    %mul3A_37 = arith.mulf %mul3A_36, %add3A_35 : vector<1000x128xf32>
    %add3A_38 = vector.broadcast %get3A_7 : vector<1x128xf32> to vector<1000x128xf32>
    %add3A_39 = arith.addf %mul3A_37, %add3A_38 : vector<1000x128xf32>
    %ge3A_40 = arith.constant 0.000000e+00 : f32
    %ge3A_41 = vector.broadcast %ge3A_40 : f32 to vector<1000x128xf32>
    %ge3A_42 = arith.cmpf oge, %add3A_39, %ge3A_41 : vector<1000x128xf32>
    %mul3A_43 = vector.broadcast %get3A_1 : f32 to vector<1000x128xf32>
    %mul3A_44 = arith.mulf %mul3A_43, %add3A_39 : vector<1000x128xf32>
    %select_n3A_45 = arith.select %ge3A_42, %add3A_39, %mul3A_44 : vector<1000x128xi1>, vector<1000x128xf32>
    %mul3A_46 = arith.constant 1000 : i32
    %mul3A_47 = arith.muli %arg0, %mul3A_46 : i32
    %swap3A = arith.index_cast %mul3A_47 : i32 to index
    %swap3A_48 = arith.constant 0 : index
    %swap3A_49 = vector.load %arg9[%swap3A, %swap3A_48] : memref<10000x128xf32, #tpu.memory_space<vmem>>, vector<1000x128xf32>
    tpu.vector_store %arg9[%swap3A, %swap3A_48], %select_n3A {strides = array<i32>} : memref<10000x128xf32, #tpu.memory_space<vmem>>, vector<1000x128xf32>,
    %mul3A_50 = arith.constant 1000 : i32
    %mul3A_51 = arith.muli %arg0, %mul3A_50 : i32
    %swap3A_52 = arith.index_cast %mul3A_51 : i32 to index
    %swap3A_53 = arith.constant 0 : index
    %swap3A_54 = vector.load %arg10[%swap3A_52, %swap3A_53] : memref<10000x128xf32, #tpu.memory_space<vmem>>, vector<1000x128xf32>
    tpu.vector_store %arg10[%swap3A_52, %swap3A_53], %select_n3A_45 {strides = array<i32>} : memref<10000x128xf32, #tpu.memory_space<vmem>>, vector<1000x128xf32>,
    %eq3A = arith.constant 0 : i32
    %eq3A_55 = arith.cmpi eq, %arg0, %eq3A : i32
    %convert_element_type3A = arith.extui %eq3A_55 : i1 to i32
    %cond3A = arith.constant 0 : i32
    %cond3A_56 = arith.cmpi ne, %convert_element_type3A, %cond3A : i32
    scf.if %cond3A_56 {
      %broadcast_in_dim3A_70 = arith.constant 0.000000e+00 : f32
      %broadcast_in_dim3A_71 = vector.broadcast %broadcast_in_dim3A_70 : f32 to vector<1x128xf32>
      %swap3A_72 = arith.constant 0 : index
      %swap3A_73 = arith.constant 0 : index
      %swap3A_74 = vector.load %arg11[%swap3A_72, %swap3A_73] : memref<1x128xf32, #tpu.memory_space<vmem>>, vector<1x128xf32>
      tpu.vector_store %arg11[%swap3A_72, %swap3A_73], %broadcast_in_dim3A_71 {strides = array<i32>} : memref<1x128xf32, #tpu.memory_space<vmem>>, vector<1x128xf32>,
    } else {
    }
    %get3A_57 = arith.constant 0 : index
    %get3A_58 = arith.constant 0 : index
    %get3A_59 = vector.load %arg11[%get3A_57, %get3A_58] : memref<1x128xf32, #tpu.memory_space<vmem>>, vector<1x128xf32>
    %reduce_sum3A = arith.constant dense<0.000000e+00> : vector<128xf32>
    %reduce_sum3A_60 = vector.multi_reduction <add>, %select_n3A, %reduce_sum3A [0] : vector<1000x128xf32> to vector<128xf32>
    %broadcast_in_dim3A = vector.shape_cast %reduce_sum3A_60 : vector<128xf32> to vector<1x128xf32>
    %add3A_61 = arith.addf %get3A_59, %broadcast_in_dim3A : vector<1x128xf32>
    %swap3A_62 = arith.constant 0 : index
    %swap3A_63 = arith.constant 0 : index
    %swap3A_64 = vector.load %arg11[%swap3A_62, %swap3A_63] : memref<1x128xf32, #tpu.memory_space<vmem>>, vector<1x128xf32>
    tpu.vector_store %arg11[%swap3A_62, %swap3A_63], %add3A_61 {strides = array<i32>} : memref<1x128xf32, #tpu.memory_space<vmem>>, vector<1x128xf32>,
    %eq3A_65 = arith.constant 9 : i32
    %eq3A_66 = arith.cmpi eq, %arg0, %eq3A_65 : i32
    %convert_element_type3A_67 = arith.extui %eq3A_66 : i1 to i32
    %cond3A_68 = arith.constant 0 : i32
    %cond3A_69 = arith.cmpi ne, %convert_element_type3A_67, %cond3A_68 : i32
    scf.if %cond3A_69 {
      %get3A_70 = arith.constant 0 : index
      %get3A_71 = arith.constant 0 : index
      %get3A_72 = vector.load %arg11[%get3A_70, %get3A_71] : memref<1x128xf32, #tpu.memory_space<vmem>>, vector<1x128xf32>
      %mul3A_73 = arith.constant 9.99999974E-5 : f32
      %mul3A_74 = vector.broadcast %mul3A_73 : f32 to vector<1x128xf32>
      %mul3A_75 = arith.mulf %get3A_72, %mul3A_74 : vector<1x128xf32>
      %logistic3A = arith.negf %mul3A_75 : vector<1x128xf32>
      %logistic3A_76 = math.exp %logistic3A : vector<1x128xf32>
      %logistic3A_77 = arith.constant 1.000000e+00 : f32
      %logistic3A_78 = vector.broadcast %logistic3A_77 : f32 to vector<1x128xf32>
      %logistic3A_79 = arith.addf %logistic3A_78, %logistic3A_76 : vector<1x128xf32>
      %logistic3A_80 = arith.divf %logistic3A_78, %logistic3A_79 : vector<1x128xf32>
      %get3A_81 = arith.constant 0 : index
      %get3A_82 = arith.constant 0 : index
      %get3A_83 = vector.load %arg6[%get3A_81, %get3A_82] : memref<128x128xf32, #tpu.memory_space<vmem>>, vector<128x128xf32>
      %dot_general3A = arith.constant dense<0.000000e+00> : vector<1x128xf32>
      %dot_general3A_84 = tpu.matmul %logistic3A_80, %get3A_83, %dot_general3A {dimension_numbers = #tpu.dot_dimension_numbers<[1], [1], [0], [0], [0, 0, 1, 0], [], []>, transpose_lhs_hint = false} : vector<1x128xf32>, vector<128x128xf32>, vector<1x128xf32> -> vector<1x128xf32>
      %get3A_85 = arith.constant 0 : index
      %get3A_86 = arith.constant 0 : index
      %get3A_87 = memref.load %arg7[%get3A_85, %get3A_86] : memref<1x1xf32, #tpu.memory_space<smem>>
      %get3A_88 = arith.constant 0 : index
      %get3A_89 = arith.constant 0 : index
      %get3A_90 = vector.load %arg9[%get3A_88, %get3A_89] : memref<10000x128xf32, #tpu.memory_space<vmem>>, vector<10000x128xf32>
      %dot_general3A_91 = arith.constant dense<0.000000e+00> : vector<1x10000xf32>
      %dot_general3A_92 = tpu.matmul %dot_general3A_84, %get3A_90, %dot_general3A_91 {dimension_numbers = #tpu.dot_dimension_numbers<[1], [1], [0], [0], [0, 0, 1, 0], [], []>, transpose_lhs_hint = false} : vector<1x128xf32>, vector<10000x128xf32>, vector<1x10000xf32> -> vector<1x10000xf32>
      %get3A_93 = arith.constant 0 : index
      %get3A_94 = arith.constant 0 : index
      %get3A_95 = vector.load %arg10[%get3A_93, %get3A_94] : memref<10000x128xf32, #tpu.memory_space<vmem>>, vector<10000x128xf32>
      %dot_general3A_96 = arith.constant dense<0.000000e+00> : vector<1x10000xf32>
      %dot_general3A_97 = tpu.matmul %dot_general3A_84, %get3A_95, %dot_general3A_96 {dimension_numbers = #tpu.dot_dimension_numbers<[1], [1], [0], [0], [0, 0, 1, 0], [], []>, transpose_lhs_hint = false} : vector<1x128xf32>, vector<10000x128xf32>, vector<1x10000xf32> -> vector<1x10000xf32>
      %add3A_98 = vector.broadcast %get3A_87 : f32 to vector<1x10000xf32>
      %add3A_99 = arith.addf %dot_general3A_92, %add3A_98 : vector<1x10000xf32>
      %swap3A_100 = arith.constant 0 : index
      %swap3A_101 = arith.constant 0 : index
      %swap3A_102 = vector.load %arg8[%swap3A_100, %swap3A_101] : memref<2x10000xf32, #tpu.memory_space<vmem>>, vector<1x10000xf32>
      tpu.vector_store %arg8[%swap3A_100, %swap3A_101], %add3A_99 {strides = array<i32>} : memref<2x10000xf32, #tpu.memory_space<vmem>>, vector<1x10000xf32>,
      %add3A_103 = vector.broadcast %get3A_87 : f32 to vector<1x10000xf32>
      %add3A_104 = arith.addf %dot_general3A_97, %add3A_103 : vector<1x10000xf32>
      %swap3A_105 = arith.constant 1 : index
      %swap3A_106 = arith.constant 0 : index
      %swap3A_107 = vector.load %arg8[%swap3A_105, %swap3A_106] : memref<2x10000xf32, #tpu.memory_space<vmem>>, vector<1x10000xf32>
      tpu.vector_store %arg8[%swap3A_105, %swap3A_106], %add3A_104 {strides = array<i32>} : memref<2x10000xf32, #tpu.memory_space<vmem>>, vector<1x10000xf32>,
    } else {
    }
    return
  }
  func.func @transform_0(%arg0: i32) -> (i32, i32, i32) {
    %c0_i32 = arith.constant 0 : i32
    %c0_i32_0 = arith.constant 0 : i32
    %c0_i32_1 = arith.constant 0 : i32
    return %c0_i32, %arg0, %c0_i32_0 : i32, i32, i32
  }
  func.func @transform_1(%arg0: i32) -> (i32, i32, i32) {
    %c0_i32 = arith.constant 0 : i32
    %c0_i32_0 = arith.constant 0 : i32
    %c0_i32_1 = arith.constant 0 : i32
    return %c0_i32, %arg0, %c0_i32_0 : i32, i32, i32
  }
  func.func @transform_2(%arg0: i32) -> (i32, i32) {
    %c0_i32 = arith.constant 0 : i32
    %c0_i32_0 = arith.constant 0 : i32
    return %arg0, %c0_i32 : i32, i32
  }
  func.func @transform_3(%arg0: i32) -> (i32, i32) {
    %c0_i32 = arith.constant 0 : i32
    %c0_i32_0 = arith.constant 0 : i32
    %c0_i32_1 = arith.constant 0 : i32
    return %c0_i32, %c0_i32_0 : i32, i32
  }
  func.func @transform_4(%arg0: i32) -> (i32, i32) {
    %c0_i32 = arith.constant 0 : i32
    %c0_i32_0 = arith.constant 0 : i32
    %c0_i32_1 = arith.constant 0 : i32
    return %c0_i32, %c0_i32_0 : i32, i32
  }
  func.func @transform_5(%arg0: i32) -> (i32, i32) {
    %c0_i32 = arith.constant 0 : i32
    %c0_i32_0 = arith.constant 0 : i32
    %c0_i32_1 = arith.constant 0 : i32
    return %c0_i32, %c0_i32_0 : i32, i32
  }
  func.func @transform_6(%arg0: i32) -> (i32, i32) {
    %c0_i32 = arith.constant 0 : i32
    %c0_i32_0 = arith.constant 0 : i32
    %c0_i32_1 = arith.constant 0 : i32
    return %c0_i32, %c0_i32_0 : i32, i32
  }
  func.func @transform_7(%arg0: i32) -> (i32, i32) {
    %c0_i32 = arith.constant 0 : i32
    %c0_i32_0 = arith.constant 0 : i32
    %c0_i32_1 = arith.constant 0 : i32
    return %c0_i32, %c0_i32_0 : i32, i32
  }
}

</mosaic_0001>

<sc_bundles>
// kernel: kernel.10.cloned.1.call-start
scs
__scs_entry_jumppad:
0x0: {  	(pc) =	sbr.rel $0x88, $3  }
0x1: {  	(tag) =	ssettag $0x0;
	lr =	simm.s32 $0x1  }
0x2: {  	[smem:$0x3F99] =	sst lr;
	_ =	strace $0xD0000000  }
0x3: {  	_ = 	snop  }
0x4: {  	_ = 	snop  }
0x5: {  	_ = 	snop  }
0x6: {  	_ = 	snop  }
0x7: {  	_ = 	snop  }
__scs_overlays_trampoline_lowered:
0x8: {  	[smem:$0x3FA8] =	sst s0  }
0x9: {  	[smem:$0x3FA9] =	sst s1  }
0xa: {  	[smem:$0x3FAA] =	sst s2  }
0xb: {  	[smem:$0x3FAB] =	sst s3  }
0xc: {  	[smem:$0x3FAC] =	sst s4  }
0xd: {  	[smem:$0x3FAD] =	sst s5  }
0xe: {  	[smem:$0x3FAE] =	sst s6  }
0xf: {  	[smem:$0x3FAF] =	sst s7  }
0x10: {  	[smem:$0x3FB0] =	sst s8  }
0x11: {  	[smem:$0x3FB1] =	sst s9;
	s0 =	simm.s32 @!p0 $0x0  }
0x12: {  	s1 =	sld [smem:$0x3F97];
	s0 =	simm.s32 @p0 $0x1  }
0x13: {  	[smem:$0x3FB2] =	sst s0;
	s0 =	simm.s32 @!p1 $0x0  }
0x14: {  	s2 =	sld [smem:$0x3F96];
	s0 =	simm.s32 @p1 $0x1  }
0x15: {  	[smem:$0x3FB3] =	sst s0;
	s0 =	simm.s32 @!p2 $0x0  }
0x16: {  	s3 =	sld [smem:$0x3FDB];
	s0 =	simm.s32 @p2 $0x1  }
0x17: {  	s4 =	simm.s32 $0x1BF5;
	[smem:$0x3FB5] =	sst s0  }
0x18: {  	s0 =	sld [smem:$0x3F98];
	_ =	swait.ge [sflag:s4], $0x0  }
0x19: {  	s7 =	sld [smem:$0x3F99]  }
0x1a: {  	s8 =	sadd.s32 $0xFFFFE003, lr  }
0x1b: {  	s9 =	sadd.s32 $0xFFFFFEF7, lr;
	s5 =	simm.s32 $0xFFFFFFFF;
	p2 =	slt.u32 s8, $0xFFFFF086  }
0x1c: {  	p1 =	slt.u32 s9, $0xF7A;
	s5 =	simm.s32 @!p2 $0x0  }
0x1d: {  	s5 =	simm.s32 @p1 $0x1;
	p0 =	seq.s32 s7, s2  }
0x1e: {  	s7 =	smul.u32 @!p0 $0xF7A, s2;
	p2 =	seq.s32 @!p0 s5, $0x0  }
0x1f: {  	s9 =	smul.u32 $0xF7A, s1;
	s8 =	simm.s32 @!p0 $0x1BF5;
	p2 =	por !p2, p0  }
0x20: {  	[sflag:s8] =	ssyncset.s32 @!p0 $0xFFFFF086;
	s6 =	sadd.s32 @!p0 s3, s7;
	s7 =	simm.s32 @!p0 $0x108  }
0x21: {  	s3 =	sadd.s32 s3, s9;
	s6 =	sadd.s32 @!p0 $0x88, s6;
	s7 =	simm.s32 @p2 $0x1082  }
0x22: {  	[simem:s7], [sflag:s8] =	dma.local @!p0 [hbm:s6], $0xF7A  }
0x23: {  	s9 =	sor.u32 $0xD0000000, s2;
	s6 =	simm.s32 $0x108;
	_ =	swait.ge @!p0 [sflag:s8], $0x0  }
0x24: {  	s3 =	sadd.s32 $0x88, s3;
	s6 =	simm.s32 @!p1 $0x1082;
	[sflag:s4] =	ssyncset.s32 $0xFFFFF086  }
0x25: {  	[simem:s6], [sflag:s4] =	dma.local [hbm:s3], $0xF7A  }
0x26: {  	[smem:$0x3F99] =	sst s1;
	(tag) =	ssettag s2;
	_ =	strace s9  }
0x27: {  	s1 =	sld [smem:$0x3FA9]  }
0x28: {  	s2 =	sld [smem:$0x3FAA]  }
0x29: {  	s4 =	sld [smem:$0x3FAC]  }
0x2a: {  	p0 =	seq.s32 s5, $0x0;
	s5 =	sld [smem:$0x3FAD]  }
0x2b: {  	s6 =	sld [smem:$0x3FAE]  }
0x2c: {  	s7 =	sld [smem:$0x3FAF]  }
0x2d: {  	s3 =	simm.s32 $0x108;
	s8 =	sld [smem:$0x3FB0]  }
0x2e: {  	s3 =	simm.s32 @!p0 $0x1082;
	s9 =	sld [smem:$0x3FB1]  }
0x2f: {  	lr =	sadd.s32 s0, s3;
	s0 =	sld [smem:$0x3FA8]  }
0x30: {  	s3 =	sld [smem:$0x3FAB]  }
0x31: {  	[smem:$0x3FB4] =	sst s10  }
0x32: {  	s10 =	sld [smem:$0x3FB2];
	_ =	sdelay $0x3  }
0x33: {  	p0 =	seq.s32 s10, $0x1;
	s10 =	sld [smem:$0x3FB4];
	_ =	sdelay $0x3  }
0x34: {  	[smem:$0x3FB4] =	sst s10  }
0x35: {  	s10 =	sld [smem:$0x3FB3];
	_ =	sdelay $0x3  }
0x36: {  	p1 =	seq.s32 s10, $0x1;
	s10 =	sld [smem:$0x3FB4];
	_ =	sdelay $0x3  }
0x37: {  	[smem:$0x3FB4] =	sst s10  }
0x38: {  	s10 =	sld [smem:$0x3FB5]  }
0x39: {  	_ = 	snop;
	(pc) =	sbr.ind lr, $3  }
0x3a: {  	_ = 	snop  }
0x3b: {  	_ = 	snop  }
0x3c: {  	p2 =	seq.s32 s10, $0x1;
	s10 =	sld [smem:$0x3FB4]  }
0x3d: {  	_ =	shalt  }
0x3e: {  	_ =	shalt  }
0x3f: {  	_ =	shalt  }
0x40: {  	_ =	shalt  }
0x41: {  	_ =	shalt  }
0x42: {  	_ =	shalt  }
0x43: {  	_ =	shalt  }
0x44: {  	_ =	shalt  }
0x45: {  	_ =	shalt  }
0x46: {  	_ =	shalt  }
0x47: {  	_ =	shalt  }
0x48: {  	_ =	shalt  }
0x49: {  	_ =	shalt  }
0x4a: {  	_ =	shalt  }
0x4b: {  	_ =	shalt  }
0x4c: {  	_ =	shalt  }
0x4d: {  	_ =	shalt  }
0x4e: {  	_ =	shalt  }
0x4f: {  	_ =	shalt  }
0x50: {  	_ =	shalt  }
0x51: {  	_ =	shalt  }
0x52: {  	_ =	shalt  }
0x53: {  	_ =	shalt  }
0x54: {  	_ =	shalt  }
0x55: {  	_ =	shalt  }
0x56: {  	_ =	shalt  }
0x57: {  	_ =	shalt  }
0x58: {  	_ =	shalt  }
0x59: {  	_ =	shalt  }
0x5a: {  	_ =	shalt  }
0x5b: {  	_ =	shalt  }
0x5c: {  	_ =	shalt  }
0x5d: {  	_ =	shalt  }
0x5e: {  	_ =	shalt  }
0x5f: {  	_ =	shalt  }
0x60: {  	_ =	shalt  }
0x61: {  	_ =	shalt  }
0x62: {  	_ =	shalt  }
0x63: {  	_ =	shalt  }
0x64: {  	_ =	shalt  }
0x65: {  	_ =	shalt  }
0x66: {  	_ =	shalt  }
0x67: {  	_ =	shalt  }
0x68: {  	_ =	shalt  }
0x69: {  	_ =	shalt  }
0x6a: {  	_ =	shalt  }
0x6b: {  	_ =	shalt  }
0x6c: {  	_ =	shalt  }
0x6d: {  	_ =	shalt  }
0x6e: {  	_ =	shalt  }
0x6f: {  	_ =	shalt  }
0x70: {  	_ =	shalt  }
0x71: {  	_ =	shalt  }
0x72: {  	_ =	shalt  }
0x73: {  	_ =	shalt  }
0x74: {  	_ =	shalt  }
0x75: {  	_ =	shalt  }
0x76: {  	_ =	shalt  }
0x77: {  	_ =	shalt  }
0x78: {  	_ =	shalt  }
0x79: {  	_ =	shalt  }
0x7a: {  	_ =	shalt  }
0x7b: {  	_ =	shalt  }
0x7c: {  	_ =	shalt  }
0x7d: {  	_ =	shalt  }
0x7e: {  	_ =	shalt  }
0x7f: {  	_ =	shalt  }
0x80: {  	_ =	shalt  }
0x81: {  	_ =	shalt  }
0x82: {  	_ =	shalt  }
0x83: {  	_ =	shalt  }
0x84: {  	_ =	shalt  }
0x85: {  	_ =	shalt  }
0x86: {  	_ =	shalt  }
0x87: {  	_ =	shalt  }
.Lfunc_end0:
.L_simem_size_0:
called_computation.1_lowered:
.L_overlay_start_0:
0x88: {  	s2 =	sld [smem:$0x3FD9]  }
0x89: {  	s3 =	sld [smem:$0x3FFE];
	_ =	sdelay $0x1  }
0x8a: {  	s1 =	srdreg.scid  }
0x8b: {  	s0 =	sand.u32 $0x1, s1  }
0x8c: {  	s17 =	sshll.u32 s0, $0xA;
	s2 =	sadd.s32 s3, s2  }
0x8d: {  	s2 =	sadd.s32 s2, s17  }
0x8e: {  	[smem:$0x3FC0] =	sst s2  }
0x8f: {  	_ = 	snop  }
0x90: {  	s2 =	sld [smem:$0x3FD0];
	(tm) =	ssettm $0x1  }
0x91: {  	s18 =	sld [smem:$0x3FFB];
	_ =	sdelay $0x3  }
0x92: {  	_ =	strace s18  }
0x93: {  	s3 =	sld [smem:$0x3FFC];
	_ =	sdelay $0x3  }
0x94: {  	_ =	strace s3  }
0x95: {  	s3 =	sld [smem:$0x3FFD];
	_ =	sdelay $0x3  }
0x96: {  	_ =	strace s3  }
0x97: {  	_ =	strace $0x8FFFFFFF  }
0x98: {  	s19 =	sld [smem:$0x3FDB];
	_ =	sdelay $0x1  }
0x99: {  	s4 =	simm.s32 $_scs_section_size  }
0x9a: {  	s5 =	simm.s32 $_size__tile_overlayer_lowered;
	s6 =	simm.s32 $_tile_overlayer_lowered  }
0x9b: {  	s22 =	simm.s32 $0x1BFF;
	s21 =	sshll.u32 s6, $0x1;
	s3 =	sadd.s32 s4, s19  }
0x9c: {  	s7 =	simm.s32 $0x0;
	s20 =	sshll.u32 s5, $0x1;
	s5 =	sadd.s32 s21, s3  }
0x9d: {  	[timem:s7], [sflag:s22] =	dma.local [hbm:s5], s20  }
0x9e: {  	_ =	swait.ge [sflag:s22], s20  }
0x9f: {  	s4 =	ssub.s32 $0x0, s20;
	[sflag:s22] =	ssyncset.done $0x0  }
0xa0: {  	[sflag:s22] =	ssyncadd.s32 s4;
	_ =	sdelay $0x1  }
0xa1: {  	s23 =	simm.s32 $0x1B8B  }
0xa2: {  	_ =	swait.ge [sflag:s23], $0x1  }
0xa3: {  	[sflag:s23] =	ssyncset.done $0x0  }
0xa4: {  	s25 =	simm.s32 $0x1B8E;
	s24 =	sld [smem:$0x3FFE];
	[sflag:s23] =	ssyncadd.s32 $0xFFFFFFFF  }
0xa5: {  	s26 =	simm.s32 $execute0_lowered;
	[smem:$0x3FD2] =	sst s25  }
0xa6: {  	s5 =	sshll.u32 s26, $0x1;
	_ =	strace $0x80000049;
	[dreg:$0x1] =	wrdreg $0xFFFFFFFF  }
0xa7: {  	s28 =	simm.s32 $_size_execute0_lowered;
	s3 =	sadd.s32 s3, s5;
	[dreg:$0x0] =	wrdreg $0x0  }
0xa8: {  	s5 =	sshll.u32 s28, $0x1;
	[dreg:$0x2] =	wrdreg s3  }
0xa9: {  	[dreg:$0x3] =	wrdreg s5  }
0xaa: {  	[dreg:$0x4] =	wrdreg $0xC0  }
0xab: {  	_ =	task [dreg:s7], $0x5FFFF  }
0xac: {  	[dreg:$0x1] =	wrdreg $0xFFFFFFFF  }
0xad: {  	[dreg:$0x0] =	wrdreg $0x60  }
0xae: {  	[dreg:$0x2] =	wrdreg s24  }
0xaf: {  	[dreg:$0x3] =	wrdreg s2  }
0xb0: {  	[dreg:$0x4] =	wrdreg $0x0  }
0xb1: {  	[dreg:$0x5] =	wrdreg $0x9  }
0xb2: {  	_ =	task.clear_ibuf [dreg:s7], $0x6FFFF;
	_ =	strace $0x90000049  }
0xb3: {  	s29 =	simm.s32 $0x9;
	_ =	strace $0x8000004B  }
0xb4: {  	_ =	swait.ge [sflag:s29], $0x1  }
0xb5: {  	[sflag:s29] =	ssyncadd.s32 $0xFFFFFFFF  }
0xb6: {  	_ =	strace $0x9000004B  }
0xb7: {  	_ =	sfence  }
0xb8: {  	s30 =	sld [smem:$0x0];
	_ =	sdelay $0x2  }
0xb9: {  	s31 =	sshll.u32 s1, $0xD;
	s1 =	sshrl.u32 s1, $0x2  }
0xba: {  	s3 =	sand.u32 $0x4000, s31;
	s1 =	sadd.s32 s1, s30  }
0xbb: {  	s0 =	sor.u32 s3, s0;
	s1 =	sshll.u32 s1, $0x11  }
0xbc: {  	s0 =	sor.u32 s1, s0  }
0xbd: {  	s0 =	sadd.s32 $0x8F2B, s0  }
0xbe: {  	[sflag:s0] =	ssyncadd.remote.s32 $0x1  }
0xbf: {  	_ =	sfence.sel $0xFFFF  }
0xc0: {  	[dreg:$0x0] =	wrdreg $0xFFFFFFFF;
	(pc) =	sbr.abs _section_cstart, $3  }
0xc1: {  	[dreg:$0x1] =	wrdreg $0xFFFFFFFF  }
0xc2: {  	_ =	task.clear_ibuf [dreg:s7], $0x2FFFF;
	_ =	strace $0x9FFFFFFF  }
0xc3: {  	(tm) =	ssettm $0x7FFFFFFF  }
tec
execute0_lowered:
.L_overlay_start_1:
0x0: {  	(tag) =	ssettag $0x1  }
0x1: {  	s0 =	rddreg [dreg:$0x0]  }
0x2: {  	s2 =	rddreg [dreg:$0x1]  }
0x3: {  	s3 =	rddreg [dreg:$0x2]  }
0x4: {  	s1 =	srdreg.scid;
	s12 =	stileid.u32  }
0x5: {  	s4 =	simm.s32 $0x0;
	s28 =	simm.s32 $0x80;
	s29 =	simm.s32 $0x16800  }
0x6: {  	s30 =	simm.s32 $0x14080;
	s31 =	simm.s32 $0x1A800;
	s1 =	sand.u32 $0x1, s1  }
0x7: {  	s7 =	smul.u32 $0x2800, s12;
	[smem:$0x7FF] =	sst s4;
	s5 =	sadd.s32 $0x21400, s0  }
0x8: {  	s6 =	sadd.s32 $0x6F600, s0;
	s10 =	smul.u32 $0x50000, s12;
	s25 =	sshll.u32 s12, $0x6  }
0x9: {  	s8 =	smul.u32 $0x28000, s1;
	_ =	strace $0x8000004A;
	s9 =	ssub.s32 $0x2, s1  }
0xa: {  	s1 =	sshll.u32 s1, $0x4;
	[dreg:$0x4] =	wrdreg s25;
	s23 =	sshrl.u32 s9, $0x1  }
0xb: {  	s24 =	sshrl.u32 s10, $0x2;
	s1 =	sor.u32 s12, s1;
	s12 =	simm.s32 $0x16780  }
0xc: {  	s8 =	sadd.s32 s7, s8;
	s7 =	sadd.s32 $0xD400, s0;
	s11 =	sadd.s32 s24, s3  }
0xd: {  	s10 =	smul.u32 $0x5000, s1;
	s1 =	simm.s32 $0x3;
	s0 =	sadd.s32 s8, s0  }
0xe: {  	s8 =	ssub.s32 s9, s23;
	s9 =	sor.u32 $0x1C01, s25;
	s26 =	sadd.s32 $0x2000, s11  }
0xf: {  	s14 =	sadd.s32 $0x4000, s11;
	s15 =	sadd.s32 $0x6000, s11;
	s16 =	sadd.s32 $0x8000, s11  }
0x10: {  	s18 =	sadd.s32 $0xA000, s11;
	s19 =	sadd.s32 $0xC000, s11;
	s20 =	sadd.s32 $0xE000, s11  }
0x11: {  	s21 =	sadd.s32 $0x10000, s11;
	s22 =	sadd.s32 $0x12000, s11;
	s13 =	sshrl.u32 s11, $0x3  }
0x12: {  	s11 =	simm.s32 $0x16700;
	s0 =	sadd.s32 $0x83600, s0;
	s17 =	smax.u32 s8, $0x1  }
0x13: {  	s23 =	sshrl.u32 s26, $0x3;
	s24 =	sshrl.u32 s14, $0x3;
	[dreg:$0x5] =	wrdreg s0  }
0x14: {  	s25 =	sshrl.u32 s15, $0x3;
	s26 =	sshrl.u32 s16, $0x3;
	[dreg:$0x6] =	wrdreg s17  }
0x15: {  	s18 =	sshrl.u32 s18, $0x3;
	s19 =	sshrl.u32 s19, $0x3;
	[dreg:$0x7] =	wrdreg s23  }
0x16: {  	s20 =	sshrl.u32 s20, $0x3;
	s21 =	sshrl.u32 s21, $0x3;
	[dreg:$0x8] =	wrdreg s24  }
0x17: {  	s22 =	sshrl.u32 s22, $0x3;
	s8 =	simm.s32 $0x4;
	[dreg:$0x9] =	wrdreg s25  }
0x18: {  	[dreg:$0xa] =	wrdreg s26;
	s23 =	simm.s32 $0x1;
	s24 =	simm.s32 $0x14000  }
0x19: {  	s25 =	simm.s32 $0x5;
	s26 =	simm.s32 $0x15400;
	s0 =	simm.s32 $0x2  }
.LBB2_1:
0x1a: {  	[spmem:s13], [sflag:s9] =	dma.local [hbm:s2], $0x400  }
0x1b: {  	s14 =	rddreg [dreg:$0x7]  }
0x1c: {  	[spmem:s14], [sflag:s9] =	dma.local [hbm:s2], $0x400  }
0x1d: {  	s14 =	rddreg [dreg:$0x8]  }
0x1e: {  	[spmem:s14], [sflag:s9] =	dma.local [hbm:s2], $0x400  }
0x1f: {  	s14 =	rddreg [dreg:$0x9]  }
0x20: {  	[spmem:s14], [sflag:s9] =	dma.local [hbm:s2], $0x400  }
0x21: {  	s14 =	rddreg [dreg:$0xa]  }
0x22: {  	[spmem:s14], [sflag:s9] =	dma.local [hbm:s2], $0x400  }
0x23: {  	[spmem:s18], [sflag:s9] =	dma.local [hbm:s2], $0x400  }
0x24: {  	[spmem:s19], [sflag:s9] =	dma.local [hbm:s2], $0x400  }
0x25: {  	[spmem:s20], [sflag:s9] =	dma.local [hbm:s2], $0x400  }
0x26: {  	[spmem:s21], [sflag:s9] =	dma.local [hbm:s2], $0x400  }
0x27: {  	[spmem:s22], [sflag:s9] =	dma.local [hbm:s2], $0x400  }
0x28: {  	_ =	swait.ge [sflag:s23], $0x400  }
0x29: {  	[sflag:s23] =	ssyncset.done $0x0  }
0x2a: {  	[sflag:s23] =	ssyncadd.s32 $0xFFFFFC00  }
0x2b: {  	_ =	swait.ge [sflag:s23], $0x400  }
0x2c: {  	[sflag:s23] =	ssyncset.done $0x0  }
0x2d: {  	[sflag:s23] =	ssyncadd.s32 $0xFFFFFC00  }
0x2e: {  	_ =	swait.ge [sflag:s23], $0x400  }
0x2f: {  	[sflag:s23] =	ssyncset.done $0x0  }
0x30: {  	[sflag:s23] =	ssyncadd.s32 $0xFFFFFC00  }
0x31: {  	_ =	swait.ge [sflag:s23], $0x400  }
0x32: {  	[sflag:s23] =	ssyncset.done $0x0  }
0x33: {  	[sflag:s23] =	ssyncadd.s32 $0xFFFFFC00  }
0x34: {  	_ =	swait.ge [sflag:s23], $0x400  }
0x35: {  	[sflag:s23] =	ssyncset.done $0x0  }
0x36: {  	[sflag:s23] =	ssyncadd.s32 $0xFFFFFC00  }
0x37: {  	_ =	swait.ge [sflag:s23], $0x400  }
0x38: {  	[sflag:s23] =	ssyncset.done $0x0  }
0x39: {  	[sflag:s23] =	ssyncadd.s32 $0xFFFFFC00  }
0x3a: {  	_ =	swait.ge [sflag:s23], $0x400  }
0x3b: {  	[sflag:s23] =	ssyncset.done $0x0  }
0x3c: {  	[sflag:s23] =	ssyncadd.s32 $0xFFFFFC00  }
0x3d: {  	_ =	swait.ge [sflag:s23], $0x400  }
0x3e: {  	[sflag:s23] =	ssyncset.done $0x0  }
0x3f: {  	[sflag:s23] =	ssyncadd.s32 $0xFFFFFC00  }
0x40: {  	_ =	swait.ge [sflag:s23], $0x400  }
0x41: {  	[sflag:s23] =	ssyncset.done $0x0  }
0x42: {  	[sflag:s23] =	ssyncadd.s32 $0xFFFFFC00  }
0x43: {  	_ =	swait.ge [sflag:s23], $0x400  }
0x44: {  	[sflag:s23] =	ssyncset.done $0x0  }
0x45: {  	[sflag:s23] =	ssyncadd.s32 $0xFFFFFC00  }
0x46: {  	s14 =	simm.s32 $0x0;
	[bflag:$0x0] =	sbarrier.arrive $0xFFFF  }
.LBB2_2:
0x47: {  	s15 =	smul.u32 $0x1400, s14;
	_ =	sdelay $0x1  }
0x48: {  	s15 =	sadd.s32 s10, s15  }
0x49: {  	s15 =	sshrl.u32 s15, $0x3  }
0x4a: {  	s17 =	simm.s32 $0x0;
	s16 =	sadd.s32 s6, s15  }
0x4b: {  	[tilespmem:s24], [sflag:$0x5] =	stream.linear.gather [hbm4b:s16+s17], $0x1400, $0x38;
	[tilespmem:$0x1E800] =	vst v63  }
0x4c: {  	_ =	swait.ge [sflag:s25], $0x1400  }
0x4d: {  	[sflag:s25] =	ssyncset.done $0x0  }
0x4e: {  	s15 =	sadd.s32 s7, s15;
	[sflag:s25] =	ssyncadd.s32 $0xFFFFEC00  }
0x4f: {  	[tilespmem:s26], [sflag:$0x5] =	stream.linear.gather [hbm4b:s15+s17], $0x1400, $0x38;
	[tilespmem:$0x1E800] =	vst v63  }
0x50: {  	_ =	swait.ge [sflag:s25], $0x1400  }
0x51: {  	[sflag:s25] =	ssyncset.done $0x0  }
0x52: {  	[sflag:s25] =	ssyncadd.s32 $0xFFFFEC00  }
0x53: {  	[tilespmem:s29], [sflag:$0x1] =	stream.indirect.gather [hbm4b:s5+s28], $0x80, s24, s28, $0xb8;
	[tilespmem:$0x1E800] =	vst v63  }
0x54: {  	_ = 	snop  }
0x55: {  	[tilespmem:s31], [sflag:$0x2] =	stream.indirect.gather [hbm4b:s5+s28], $0x80, s30, s28, $0xb8;
	[tilespmem:$0x1E800] =	vst v63  }
0x56: {  	_ =	swait.ge [sflag:s23], $0x4000  }
0x57: {  	[sflag:s23] =	ssyncset.done $0x0  }
0x58: {  	s17 =	simm.s32 $0x15400;
	[sflag:s23] =	ssyncadd.s32 $0xFFFFC000  }
0x59: {  	[spmem:s3] =	stream.indirect.scatter.add.f32 [tilespmem:s29], [sflag:$0x3], $0x80, s17, s28, $0xb8;
	[tilespmem:$0x1E800] =	vst v63  }
0x5a: {  	_ =	swait.ge [sflag:s0], $0x4000  }
0x5b: {  	[sflag:s0] =	ssyncset.done $0x0  }
0x5c: {  	s16 =	simm.s32 $0x15480;
	[sflag:s0] =	ssyncadd.s32 $0xFFFFC000  }
0x5d: {  	[spmem:s3] =	stream.indirect.scatter.add.f32 [tilespmem:s31], [sflag:$0x4], $0x80, s16, s28, $0xb8;
	[tilespmem:$0x1E800] =	vst v63  }
0x5e: {  	_ =	swait.ge [sflag:s1], $0x4000  }
0x5f: {  	[sflag:s1] =	ssyncset.done $0x0  }
0x60: {  	s17 =	simm.s32 $0x14100;
	[sflag:s1] =	ssyncadd.s32 $0xFFFFC000  }
0x61: {  	[tilespmem:s29], [sflag:$0x1] =	stream.indirect.gather [hbm4b:s5+s28], $0x80, s17, s28, $0xb8;
	[tilespmem:$0x1E800] =	vst v63  }
0x62: {  	_ =	swait.ge [sflag:s8], $0x4000  }
0x63: {  	[sflag:s8] =	ssyncset.done $0x0  }
0x64: {  	s15 =	simm.s32 $0x400;
	s16 =	simm.s32 $0x14180;
	[sflag:s8] =	ssyncadd.s32 $0xFFFFC000  }
.LBB2_3:
0x65: {  	[tilespmem:s31], [sflag:$0x2] =	stream.indirect.gather [hbm4b:s5+s28], $0x80, s16, s28, $0xb8;
	[tilespmem:$0x1E800] =	vst v63  }
0x66: {  	s16 =	smov.u32 s15  }
0x67: {  	p0 =	sne.s32 s15, $0x4800;
	s15 =	sadd.s32 $0x400, s15;
	_ =	swait.ge [sflag:s23], $0x4000  }
0x68: {  	s16 =	sshra.s32 s16, $0x2;
	[sflag:s23] =	ssyncset.done $0x0  }
0x69: {  	s17 =	sadd.s32 $0x15400, s16;
	[sflag:s23] =	ssyncadd.s32 $0xFFFFC000  }
0x6a: {  	[spmem:s3] =	stream.indirect.scatter.add.f32 [tilespmem:s29], [sflag:$0x3], $0x80, s17, s28, $0xb8;
	[tilespmem:$0x1E800] =	vst v63  }
0x6b: {  	_ =	swait.ge [sflag:s0], $0x4000  }
0x6c: {  	[sflag:s0] =	ssyncset.done $0x0  }
0x6d: {  	s17 =	sadd.s32 $0x15480, s16;
	[sflag:s0] =	ssyncadd.s32 $0xFFFFC000  }
0x6e: {  	[spmem:s3] =	stream.indirect.scatter.add.f32 [tilespmem:s31], [sflag:$0x4], $0x80, s17, s28, $0xb8;
	[tilespmem:$0x1E800] =	vst v63  }
0x6f: {  	_ =	swait.ge [sflag:s1], $0x4000  }
0x70: {  	[sflag:s1] =	ssyncset.done $0x0  }
.Ltmp0:
0x71: {  	s17 =	sadd.s32 $0x14100, s16;
	[sflag:s1] =	ssyncadd.s32 $0xFFFFC000;
	(pc) =	sbr.rel @p0 .LBB2_3-.Ltmp0, $4  }
0x72: {  	[tilespmem:s29], [sflag:$0x1] =	stream.indirect.gather [hbm4b:s5+s28], $0x80, s17, s28, $0xb8;
	[tilespmem:$0x1E800] =	vst v63  }
0x73: {  	_ =	swait.ge [sflag:s8], $0x4000  }
0x74: {  	[sflag:s8] =	ssyncset.done $0x0  }
0x75: {  	s16 =	sadd.s32 $0x14180, s16;
	[sflag:s8] =	ssyncadd.s32 $0xFFFFC000  }
0x76: {  	[tilespmem:s31], [sflag:$0x2] =	stream.indirect.gather [hbm4b:s5+s28], $0x80, s16, s28, $0xb8;
	[tilespmem:$0x1E800] =	vst v63  }
0x77: {  	_ =	swait.ge [sflag:s23], $0x4000  }
0x78: {  	[sflag:s23] =	ssyncset.done $0x0  }
0x79: {  	[sflag:s23] =	ssyncadd.s32 $0xFFFFC000  }
0x7a: {  	[spmem:s3] =	stream.indirect.scatter.add.f32 [tilespmem:s29], [sflag:$0x3], $0x80, s11, s28, $0xb8;
	[tilespmem:$0x1E800] =	vst v63  }
0x7b: {  	_ =	swait.ge [sflag:s0], $0x4000  }
0x7c: {  	[sflag:s0] =	ssyncset.done $0x0  }
0x7d: {  	s14 =	sadd.s32 $0x1, s14;
	[sflag:s0] =	ssyncadd.s32 $0xFFFFC000  }
0x7e: {  	[spmem:s3] =	stream.indirect.scatter.add.f32 [tilespmem:s31], [sflag:$0x4], $0x80, s12, s28, $0xb8;
	[tilespmem:$0x1E800] =	vst v63  }
0x7f: {  	p0 =	sne.s32 s14, $0x4;
	_ =	swait.ge [sflag:s1], $0x4000  }
.Ltmp1:
0x80: {  	[sflag:s1] =	ssyncset.done $0x0;
	(pc) =	sbr.rel @p0 .LBB2_2-.Ltmp1, $4  }
0x81: {  	[sflag:s1] =	ssyncadd.s32 $0xFFFFC000  }
0x82: {  	_ =	swait.ge [sflag:s8], $0x4000  }
0x83: {  	[sflag:s8] =	ssyncset.done $0x0  }
0x84: {  	[sflag:s8] =	ssyncadd.s32 $0xFFFFC000  }
0x85: {  	[bflag:$0x0] =	sbarrier.arrive $0xFFFF  }
0x86: {  	s14 =	rddreg [dreg:$0x4]  }
0x87: {  	s15 =	rddreg [dreg:$0x5];
	s14 =	sor.u32 $0x1C05, s14  }
0x88: {  	[hbm:s15], [sflag:s14] =	dma.local [spmem:s13], $0x2800  }
0x89: {  	_ =	swait.ge [sflag:s25], $0x2800  }
0x8a: {  	s4 =	sadd.s32 $0x1, s4;
	s17 =	rddreg [dreg:$0x6]  }
0x8b: {  	p0 =	sne.s32 s4, s17  }
.Ltmp2:
0x8c: {  	_ = 	snop;
	(pc) =	sbr.rel @p0 .LBB2_1-.Ltmp2, $3  }
0x8d: {  	_ =	sdelay $0x1  }
0x8e: {  	[sflag:s25] =	ssyncset.done $0x0  }
0x8f: {  	[sflag:s25] =	ssyncadd.s32 $0xFFFFD800  }
0x90: {  	_ =	sfence.sel $0x180000  }
0x91: {  	[bflag:$0x0] =	sbarrier.arrive $0xFFFF  }
0x92: {  	_ =	strace $0x9000004A  }
0x93: {  	s0 =	stileid.u32;
	[bflag:$0x2] =	sbarrier.arrive $0xFFFF  }
0x94: {  	p0 =	sne.s32 s0, $0x0;
	s0 =	rddreg [dreg:$0x3]  }
0x95: {  	s0 =	sadd.s32 @!p0 $0x100000, s0  }
0x96: {  	[sflag:s0] =	ssyncadd.tile.s32 @!p0 $0x1;
	_ =	shalt  }
.Lfunc_end2:
_tile_overlayer_lowered:
.L_overlay_start_2:
0x97: {  	(tag) =	ssettag $0x2  }
0x98: {  	s0 =	rddreg [dreg:$0x0];
	s2 =	stileid.u32  }
0x99: {  	s1 =	rddreg [dreg:$0x1];
	p0 =	sne.s32 s2, $0x0  }
0x9a: {  	s3 =	rddreg [dreg:$0x2];
	[bflag:$0x3] =	sbarrier.arrive $0xFFFF;
	s2 =	simm.s32 @!p0 $0x1C05  }
0x9b: {  	[timem:s3], [sflag:s2] =	dma.local @!p0 [hbm:s0], s1  }
0x9c: {  	s0 =	simm.s32 @!p0 $0x5  }
0x9d: {  	_ =	swait.ge @!p0 [sflag:s0], s1  }
0x9e: {  	s1 =	ssub.s32 @!p0 $0x0, s1;
	[sflag:s0] =	ssyncset.done @!p0 $0x0  }
0x9f: {  	[sflag:s0] =	ssyncadd.s32 @!p0 s1  }
0xa0: {  	[bflag:$0x3] =	sbarrier.arrive $0xFFFF  }
0xa1: {  	_ =	shalt  }

// kernel: kernel.7.cloned.1.call-start
scs
__scs_entry_jumppad:
0x0: {  	(pc) =	sbr.rel $0x88, $3  }
0x1: {  	(tag) =	ssettag $0x0;
	lr =	simm.s32 $0x1  }
0x2: {  	[smem:$0x3F99] =	sst lr;
	_ =	strace $0xD0000000  }
0x3: {  	_ = 	snop  }
0x4: {  	_ = 	snop  }
0x5: {  	_ = 	snop  }
0x6: {  	_ = 	snop  }
0x7: {  	_ = 	snop  }
__scs_overlays_trampoline_lowered:
0x8: {  	[smem:$0x3FA8] =	sst s0  }
0x9: {  	[smem:$0x3FA9] =	sst s1  }
0xa: {  	[smem:$0x3FAA] =	sst s2  }
0xb: {  	[smem:$0x3FAB] =	sst s3  }
0xc: {  	[smem:$0x3FAC] =	sst s4  }
0xd: {  	[smem:$0x3FAD] =	sst s5  }
0xe: {  	[smem:$0x3FAE] =	sst s6  }
0xf: {  	[smem:$0x3FAF] =	sst s7  }
0x10: {  	[smem:$0x3FB0] =	sst s8  }
0x11: {  	[smem:$0x3FB1] =	sst s9;
	s0 =	simm.s32 @!p0 $0x0  }
0x12: {  	s1 =	sld [smem:$0x3F97];
	s0 =	simm.s32 @p0 $0x1  }
0x13: {  	[smem:$0x3FB2] =	sst s0;
	s0 =	simm.s32 @!p1 $0x0  }
0x14: {  	s2 =	sld [smem:$0x3F96];
	s0 =	simm.s32 @p1 $0x1  }
0x15: {  	[smem:$0x3FB3] =	sst s0;
	s0 =	simm.s32 @!p2 $0x0  }
0x16: {  	s3 =	sld [smem:$0x3FDB];
	s0 =	simm.s32 @p2 $0x1  }
0x17: {  	s4 =	simm.s32 $0x1BF5;
	[smem:$0x3FB5] =	sst s0  }
0x18: {  	s0 =	sld [smem:$0x3F98];
	_ =	swait.ge [sflag:s4], $0x0  }
0x19: {  	s7 =	sld [smem:$0x3F99]  }
0x1a: {  	s8 =	sadd.s32 $0xFFFFE003, lr  }
0x1b: {  	s9 =	sadd.s32 $0xFFFFFEF7, lr;
	s5 =	simm.s32 $0xFFFFFFFF;
	p2 =	slt.u32 s8, $0xFFFFF086  }
0x1c: {  	p1 =	slt.u32 s9, $0xF7A;
	s5 =	simm.s32 @!p2 $0x0  }
0x1d: {  	s5 =	simm.s32 @p1 $0x1;
	p0 =	seq.s32 s7, s2  }
0x1e: {  	s7 =	smul.u32 @!p0 $0xF7A, s2;
	p2 =	seq.s32 @!p0 s5, $0x0  }
0x1f: {  	s9 =	smul.u32 $0xF7A, s1;
	s8 =	simm.s32 @!p0 $0x1BF5;
	p2 =	por !p2, p0  }
0x20: {  	[sflag:s8] =	ssyncset.s32 @!p0 $0xFFFFF086;
	s6 =	sadd.s32 @!p0 s3, s7;
	s7 =	simm.s32 @!p0 $0x108  }
0x21: {  	s3 =	sadd.s32 s3, s9;
	s6 =	sadd.s32 @!p0 $0x88, s6;
	s7 =	simm.s32 @p2 $0x1082  }
0x22: {  	[simem:s7], [sflag:s8] =	dma.local @!p0 [hbm:s6], $0xF7A  }
0x23: {  	s9 =	sor.u32 $0xD0000000, s2;
	s6 =	simm.s32 $0x108;
	_ =	swait.ge @!p0 [sflag:s8], $0x0  }
0x24: {  	s3 =	sadd.s32 $0x88, s3;
	s6 =	simm.s32 @!p1 $0x1082;
	[sflag:s4] =	ssyncset.s32 $0xFFFFF086  }
0x25: {  	[simem:s6], [sflag:s4] =	dma.local [hbm:s3], $0xF7A  }
0x26: {  	[smem:$0x3F99] =	sst s1;
	(tag) =	ssettag s2;
	_ =	strace s9  }
0x27: {  	s1 =	sld [smem:$0x3FA9]  }
0x28: {  	s2 =	sld [smem:$0x3FAA]  }
0x29: {  	s4 =	sld [smem:$0x3FAC]  }
0x2a: {  	p0 =	seq.s32 s5, $0x0;
	s5 =	sld [smem:$0x3FAD]  }
0x2b: {  	s6 =	sld [smem:$0x3FAE]  }
0x2c: {  	s7 =	sld [smem:$0x3FAF]  }
0x2d: {  	s3 =	simm.s32 $0x108;
	s8 =	sld [smem:$0x3FB0]  }
0x2e: {  	s3 =	simm.s32 @!p0 $0x1082;
	s9 =	sld [smem:$0x3FB1]  }
0x2f: {  	lr =	sadd.s32 s0, s3;
	s0 =	sld [smem:$0x3FA8]  }
0x30: {  	s3 =	sld [smem:$0x3FAB]  }
0x31: {  	[smem:$0x3FB4] =	sst s10  }
0x32: {  	s10 =	sld [smem:$0x3FB2];
	_ =	sdelay $0x3  }
0x33: {  	p0 =	seq.s32 s10, $0x1;
	s10 =	sld [smem:$0x3FB4];
	_ =	sdelay $0x3  }
0x34: {  	[smem:$0x3FB4] =	sst s10  }
0x35: {  	s10 =	sld [smem:$0x3FB3];
	_ =	sdelay $0x3  }
0x36: {  	p1 =	seq.s32 s10, $0x1;
	s10 =	sld [smem:$0x3FB4];
	_ =	sdelay $0x3  }
0x37: {  	[smem:$0x3FB4] =	sst s10  }
0x38: {  	s10 =	sld [smem:$0x3FB5]  }
0x39: {  	_ = 	snop;
	(pc) =	sbr.ind lr, $3  }
0x3a: {  	_ = 	snop  }
0x3b: {  	_ = 	snop  }
0x3c: {  	p2 =	seq.s32 s10, $0x1;
	s10 =	sld [smem:$0x3FB4]  }
0x3d: {  	_ =	shalt  }
0x3e: {  	_ =	shalt  }
0x3f: {  	_ =	shalt  }
0x40: {  	_ =	shalt  }
0x41: {  	_ =	shalt  }
0x42: {  	_ =	shalt  }
0x43: {  	_ =	shalt  }
0x44: {  	_ =	shalt  }
0x45: {  	_ =	shalt  }
0x46: {  	_ =	shalt  }
0x47: {  	_ =	shalt  }
0x48: {  	_ =	shalt  }
0x49: {  	_ =	shalt  }
0x4a: {  	_ =	shalt  }
0x4b: {  	_ =	shalt  }
0x4c: {  	_ =	shalt  }
0x4d: {  	_ =	shalt  }
0x4e: {  	_ =	shalt  }
0x4f: {  	_ =	shalt  }
0x50: {  	_ =	shalt  }
0x51: {  	_ =	shalt  }
0x52: {  	_ =	shalt  }
0x53: {  	_ =	shalt  }
0x54: {  	_ =	shalt  }
0x55: {  	_ =	shalt  }
0x56: {  	_ =	shalt  }
0x57: {  	_ =	shalt  }
0x58: {  	_ =	shalt  }
0x59: {  	_ =	shalt  }
0x5a: {  	_ =	shalt  }
0x5b: {  	_ =	shalt  }
0x5c: {  	_ =	shalt  }
0x5d: {  	_ =	shalt  }
0x5e: {  	_ =	shalt  }
0x5f: {  	_ =	shalt  }
0x60: {  	_ =	shalt  }
0x61: {  	_ =	shalt  }
0x62: {  	_ =	shalt  }
0x63: {  	_ =	shalt  }
0x64: {  	_ =	shalt  }
0x65: {  	_ =	shalt  }
0x66: {  	_ =	shalt  }
0x67: {  	_ =	shalt  }
0x68: {  	_ =	shalt  }
0x69: {  	_ =	shalt  }
0x6a: {  	_ =	shalt  }
0x6b: {  	_ =	shalt  }
0x6c: {  	_ =	shalt  }
0x6d: {  	_ =	shalt  }
0x6e: {  	_ =	shalt  }
0x6f: {  	_ =	shalt  }
0x70: {  	_ =	shalt  }
0x71: {  	_ =	shalt  }
0x72: {  	_ =	shalt  }
0x73: {  	_ =	shalt  }
0x74: {  	_ =	shalt  }
0x75: {  	_ =	shalt  }
0x76: {  	_ =	shalt  }
0x77: {  	_ =	shalt  }
0x78: {  	_ =	shalt  }
0x79: {  	_ =	shalt  }
0x7a: {  	_ =	shalt  }
0x7b: {  	_ =	shalt  }
0x7c: {  	_ =	shalt  }
0x7d: {  	_ =	shalt  }
0x7e: {  	_ =	shalt  }
0x7f: {  	_ =	shalt  }
0x80: {  	_ =	shalt  }
0x81: {  	_ =	shalt  }
0x82: {  	_ =	shalt  }
0x83: {  	_ =	shalt  }
0x84: {  	_ =	shalt  }
0x85: {  	_ =	shalt  }
0x86: {  	_ =	shalt  }
0x87: {  	_ =	shalt  }
.Lfunc_end0:
.L_simem_size_0:
called_computation_lowered:
.L_overlay_start_0:
0x88: {  	s2 =	sld [smem:$0x3FD9]  }
0x89: {  	s3 =	sld [smem:$0x3FFE];
	_ =	sdelay $0x1  }
0x8a: {  	s1 =	srdreg.scid  }
0x8b: {  	s0 =	sand.u32 $0x1, s1  }
0x8c: {  	s17 =	sshll.u32 s0, $0xA;
	s2 =	sadd.s32 s3, s2  }
0x8d: {  	s2 =	sadd.s32 s2, s17  }
0x8e: {  	[smem:$0x3FC0] =	sst s2  }
0x8f: {  	_ = 	snop  }
0x90: {  	s2 =	sld [smem:$0x3FD0];
	(tm) =	ssettm $0x1  }
0x91: {  	s18 =	sld [smem:$0x3FFB];
	_ =	sdelay $0x3  }
0x92: {  	_ =	strace s18  }
0x93: {  	s3 =	sld [smem:$0x3FFC];
	_ =	sdelay $0x3  }
0x94: {  	_ =	strace s3  }
0x95: {  	s3 =	sld [smem:$0x3FFD];
	_ =	sdelay $0x3  }
0x96: {  	_ =	strace s3  }
0x97: {  	_ =	strace $0x8FFFFFFF  }
0x98: {  	s19 =	sld [smem:$0x3FDB];
	_ =	sdelay $0x1  }
0x99: {  	s4 =	simm.s32 $_scs_section_size  }
0x9a: {  	s5 =	simm.s32 $_size__tile_overlayer_lowered;
	s6 =	simm.s32 $_tile_overlayer_lowered  }
0x9b: {  	s22 =	simm.s32 $0x1BFF;
	s21 =	sshll.u32 s6, $0x1;
	s3 =	sadd.s32 s4, s19  }
0x9c: {  	s7 =	simm.s32 $0x0;
	s20 =	sshll.u32 s5, $0x1;
	s5 =	sadd.s32 s21, s3  }
0x9d: {  	[timem:s7], [sflag:s22] =	dma.local [hbm:s5], s20  }
0x9e: {  	_ =	swait.ge [sflag:s22], s20  }
0x9f: {  	s4 =	ssub.s32 $0x0, s20;
	[sflag:s22] =	ssyncset.done $0x0  }
0xa0: {  	[sflag:s22] =	ssyncadd.s32 s4;
	_ =	sdelay $0x1  }
0xa1: {  	s23 =	simm.s32 $0x1B8B  }
0xa2: {  	_ =	swait.ge [sflag:s23], $0x1  }
0xa3: {  	[sflag:s23] =	ssyncset.done $0x0  }
0xa4: {  	s25 =	simm.s32 $0x1B8E;
	s24 =	sld [smem:$0x3FFE];
	[sflag:s23] =	ssyncadd.s32 $0xFFFFFFFF  }
0xa5: {  	s26 =	simm.s32 $execute0_lowered;
	[smem:$0x3FD2] =	sst s25  }
0xa6: {  	s5 =	sshll.u32 s26, $0x1;
	_ =	strace $0x80000046;
	[dreg:$0x1] =	wrdreg $0xFFFFFFFF  }
0xa7: {  	s28 =	simm.s32 $_size_execute0_lowered;
	s3 =	sadd.s32 s3, s5;
	[dreg:$0x0] =	wrdreg $0x0  }
0xa8: {  	s5 =	sshll.u32 s28, $0x1;
	[dreg:$0x2] =	wrdreg s3  }
0xa9: {  	[dreg:$0x3] =	wrdreg s5  }
0xaa: {  	[dreg:$0x4] =	wrdreg $0xC0  }
0xab: {  	_ =	task [dreg:s7], $0x5FFFF  }
0xac: {  	[dreg:$0x1] =	wrdreg $0xFFFFFFFF  }
0xad: {  	[dreg:$0x0] =	wrdreg $0x60  }
0xae: {  	[dreg:$0x2] =	wrdreg s24  }
0xaf: {  	[dreg:$0x3] =	wrdreg s2  }
0xb0: {  	[dreg:$0x4] =	wrdreg $0x0  }
0xb1: {  	[dreg:$0x5] =	wrdreg $0x9  }
0xb2: {  	_ =	task.clear_ibuf [dreg:s7], $0x6FFFF;
	_ =	strace $0x90000046  }
0xb3: {  	s29 =	simm.s32 $0x9;
	_ =	strace $0x80000048  }
0xb4: {  	_ =	swait.ge [sflag:s29], $0x1  }
0xb5: {  	[sflag:s29] =	ssyncadd.s32 $0xFFFFFFFF  }
0xb6: {  	_ =	strace $0x90000048  }
0xb7: {  	_ =	sfence  }
0xb8: {  	s30 =	sld [smem:$0x0];
	_ =	sdelay $0x2  }
0xb9: {  	s31 =	sshll.u32 s1, $0xD;
	s1 =	sshrl.u32 s1, $0x2  }
0xba: {  	s3 =	sand.u32 $0x4000, s31;
	s1 =	sadd.s32 s1, s30  }
0xbb: {  	s0 =	sor.u32 s3, s0;
	s1 =	sshll.u32 s1, $0x11  }
0xbc: {  	s0 =	sor.u32 s1, s0  }
0xbd: {  	s0 =	sadd.s32 $0x8F2B, s0  }
0xbe: {  	[sflag:s0] =	ssyncadd.remote.s32 $0x1  }
0xbf: {  	_ =	sfence.sel $0xFFFF  }
0xc0: {  	[dreg:$0x0] =	wrdreg $0xFFFFFFFF;
	(pc) =	sbr.abs _section_cstart, $3  }
0xc1: {  	[dreg:$0x1] =	wrdreg $0xFFFFFFFF  }
0xc2: {  	_ =	task.clear_ibuf [dreg:s7], $0x2FFFF;
	_ =	strace $0x9FFFFFFF  }
0xc3: {  	(tm) =	ssettm $0x7FFFFFFF  }
tec
execute0_lowered:
.L_overlay_start_1:
0x0: {  	(tag) =	ssettag $0x1  }
0x1: {  	s6 =	rddreg [dreg:$0x0]  }
0x2: {  	s0 =	srdreg.scid;
	s2 =	rddreg [dreg:$0x1]  }
0x3: {  	s3 =	rddreg [dreg:$0x2];
	s4 =	simm.s32 $0x0;
	s14 =	simm.s32 $0x80  }
0x4: {  	s15 =	simm.s32 $0x1;
	s5 =	sand.u32 $0x1, s0;
	s0 =	stileid.u32  }
0x5: {  	s16 =	simm.s32 $0x0;
	[smem:$0x7FF] =	sst s4;
	s8 =	smul.u32 $0x280, s0  }
0x6: {  	s1 =	sshll.u32 s5, $0x4;
	s9 =	smul.u32 $0x2800, s5;
	s10 =	ssub.s32 $0x2, s5  }
0x7: {  	s5 =	sadd.s32 $0xC800, s6;
	s12 =	sshll.u32 s0, $0x6;
	s1 =	sor.u32 s0, s1  }
0x8: {  	s11 =	sshrl.u32 s10, $0x1;
	s12 =	sor.u32 $0x1C02, s12;
	s7 =	smul.u32 $0x500, s1  }
0x9: {  	s1 =	rddreg [dreg:$0x3];
	_ =	strace $0x80000047;
	s9 =	sadd.s32 s8, s9  }
0xa: {  	s10 =	ssub.s32 s10, s11;
	s13 =	sadd.s32 s8, s3;
	s11 =	simm.s32 $0x300  }
0xb: {  	s9 =	sshrl.u32 s9, $0x3;
	s8 =	smax.u32 s10, $0x1;
	s10 =	simm.s32 $0x2  }
0xc: {  	s13 =	sshrl.u32 s13, $0x3;
	s7 =	sadd.s32 s7, s6;
	s9 =	sadd.s32 s9, s6  }
0xd: {  	s6 =	sadd.s32 $0x2800, s7;
	s7 =	sadd.s32 $0xCA00, s9;
	s9 =	simm.s32 $0x280  }
.LBB2_1:
0xe: {  	[tilespmem:s9], [sflag:$0x2] =	stream.linear.gather [hbm4b:s5+s4], $0x80, $0x38;
	[tilespmem:$0x2B00] =	vst v63  }
0xf: {  	_ =	swait.ge [sflag:s10], $0x80  }
0x10: {  	[sflag:s10] =	ssyncset.done $0x0  }
0x11: {  	[sflag:s10] =	ssyncadd.s32 $0xFFFFFF80  }
0x12: {  	[tilespmem:s11], [sflag:$0x2] =	stream.linear.gather [hbm4b:s6+s4], $0x2800, $0x38;
	[tilespmem:$0x2B00] =	vst v63  }
0x13: {  	_ =	swait.ge [sflag:s10], $0x2800  }
0x14: {  	[sflag:s10] =	ssyncset.done $0x0  }
0x15: {  	[sflag:s10] =	ssyncadd.s32 $0xFFFFD800  }
0x16: {  	[spmem:s13], [sflag:s12] =	dma.local [hbm:s2], $0x50  }
0x17: {  	_ =	swait.ge [sflag:s10], $0x50  }
0x18: {  	[sflag:s10] =	ssyncset.done $0x0  }
0x19: {  	[sflag:s10] =	ssyncadd.s32 $0xFFFFFFB0  }
0x1a: {  	s17 =	simm.s32 $0x300;
	[bflag:$0x0] =	sbarrier.arrive $0xFFFF  }
0x1b: {  	[spmem:s3] =	stream.indirect.scatter.add.f32 [tilespmem:s9], [sflag:$0x1], $0x1, s17, s14, $0xb8;
	[tilespmem:$0x2B00] =	vst v63  }
0x1c: {  	s24 =	simm.s32 $0x380  }
0x1d: {  	[spmem:s3] =	stream.indirect.scatter.add.f32 [tilespmem:s9], [sflag:$0x1], $0x1, s24, s14, $0xb8;
	[tilespmem:$0x2B00] =	vst v63  }
0x1e: {  	s25 =	simm.s32 $0x400  }
0x1f: {  	[spmem:s3] =	stream.indirect.scatter.add.f32 [tilespmem:s9], [sflag:$0x1], $0x1, s25, s14, $0xb8;
	[tilespmem:$0x2B00] =	vst v63  }
0x20: {  	s26 =	simm.s32 $0x480  }
0x21: {  	[spmem:s3] =	stream.indirect.scatter.add.f32 [tilespmem:s9], [sflag:$0x1], $0x1, s26, s14, $0xb8;
	[tilespmem:$0x2B00] =	vst v63  }
0x22: {  	s28 =	simm.s32 $0x500  }
0x23: {  	[spmem:s3] =	stream.indirect.scatter.add.f32 [tilespmem:s9], [sflag:$0x1], $0x1, s28, s14, $0xb8;
	[tilespmem:$0x2B00] =	vst v63  }
0x24: {  	s29 =	simm.s32 $0x580  }
0x25: {  	[spmem:s3] =	stream.indirect.scatter.add.f32 [tilespmem:s9], [sflag:$0x1], $0x1, s29, s14, $0xb8;
	[tilespmem:$0x2B00] =	vst v63  }
0x26: {  	s30 =	simm.s32 $0x600  }
0x27: {  	[spmem:s3] =	stream.indirect.scatter.add.f32 [tilespmem:s9], [sflag:$0x1], $0x1, s30, s14, $0xb8;
	[tilespmem:$0x2B00] =	vst v63  }
0x28: {  	s31 =	simm.s32 $0x680  }
0x29: {  	[spmem:s3] =	stream.indirect.scatter.add.f32 [tilespmem:s9], [sflag:$0x1], $0x1, s31, s14, $0xb8;
	[tilespmem:$0x2B00] =	vst v63  }
0x2a: {  	_ =	swait.ge [sflag:s15], $0x80  }
0x2b: {  	[sflag:s15] =	ssyncset.done $0x0  }
0x2c: {  	[sflag:s15] =	ssyncadd.s32 $0xFFFFFF80  }
0x2d: {  	_ =	swait.ge [sflag:s15], $0x80  }
0x2e: {  	[sflag:s15] =	ssyncset.done $0x0  }
0x2f: {  	[sflag:s15] =	ssyncadd.s32 $0xFFFFFF80  }
0x30: {  	_ =	swait.ge [sflag:s15], $0x80  }
0x31: {  	[sflag:s15] =	ssyncset.done $0x0  }
0x32: {  	[sflag:s15] =	ssyncadd.s32 $0xFFFFFF80  }
0x33: {  	_ =	swait.ge [sflag:s15], $0x80  }
0x34: {  	[sflag:s15] =	ssyncset.done $0x0  }
0x35: {  	[sflag:s15] =	ssyncadd.s32 $0xFFFFFF80  }
0x36: {  	_ =	swait.ge [sflag:s15], $0x80  }
0x37: {  	[sflag:s15] =	ssyncset.done $0x0  }
0x38: {  	[sflag:s15] =	ssyncadd.s32 $0xFFFFFF80  }
0x39: {  	_ =	swait.ge [sflag:s15], $0x80  }
0x3a: {  	[sflag:s15] =	ssyncset.done $0x0  }
0x3b: {  	[sflag:s15] =	ssyncadd.s32 $0xFFFFFF80  }
0x3c: {  	_ =	swait.ge [sflag:s15], $0x80  }
0x3d: {  	[sflag:s15] =	ssyncset.done $0x0  }
0x3e: {  	[sflag:s15] =	ssyncadd.s32 $0xFFFFFF80  }
0x3f: {  	_ =	swait.ge [sflag:s15], $0x80  }
0x40: {  	s20 =	simm.s32 $0x2000;
	s19 =	simm.s32 $0x400;
	[sflag:s15] =	ssyncset.done $0x0  }
.LBB2_2:
0x41: {  	s21 =	sadd.s32 $0x300, s19  }
0x42: {  	[sflag:s15] =	ssyncadd.s32 $0xFFFFFF80;
	s18 =	smov.u32 s20;
	s17 =	sadd.s32 $0x1000, s20  }
0x43: {  	[spmem:s3] =	stream.indirect.scatter.add.f32 [tilespmem:s9], [sflag:$0x1], $0x1, s21, s14, $0xb8;
	[tilespmem:$0x2B00] =	vst v63  }
0x44: {  	p0 =	sne.s32 s20, $0x9000;
	s20 =	sadd.s32 $0x380, s19  }
0x45: {  	[spmem:s3] =	stream.indirect.scatter.add.f32 [tilespmem:s9], [sflag:$0x1], $0x1, s20, s14, $0xb8;
	[tilespmem:$0x2B00] =	vst v63  }
0x46: {  	s20 =	sadd.s32 $0x400, s19  }
0x47: {  	[spmem:s3] =	stream.indirect.scatter.add.f32 [tilespmem:s9], [sflag:$0x1], $0x1, s20, s14, $0xb8;
	[tilespmem:$0x2B00] =	vst v63  }
0x48: {  	s20 =	sadd.s32 $0x480, s19  }
0x49: {  	[spmem:s3] =	stream.indirect.scatter.add.f32 [tilespmem:s9], [sflag:$0x1], $0x1, s20, s14, $0xb8;
	[tilespmem:$0x2B00] =	vst v63  }
0x4a: {  	s20 =	sadd.s32 $0x500, s19  }
0x4b: {  	[spmem:s3] =	stream.indirect.scatter.add.f32 [tilespmem:s9], [sflag:$0x1], $0x1, s20, s14, $0xb8;
	[tilespmem:$0x2B00] =	vst v63  }
0x4c: {  	s20 =	sadd.s32 $0x580, s19  }
0x4d: {  	[spmem:s3] =	stream.indirect.scatter.add.f32 [tilespmem:s9], [sflag:$0x1], $0x1, s20, s14, $0xb8;
	[tilespmem:$0x2B00] =	vst v63  }
0x4e: {  	s20 =	sadd.s32 $0x600, s19  }
0x4f: {  	[spmem:s3] =	stream.indirect.scatter.add.f32 [tilespmem:s9], [sflag:$0x1], $0x1, s20, s14, $0xb8;
	[tilespmem:$0x2B00] =	vst v63  }
0x50: {  	s19 =	sadd.s32 $0x680, s19  }
0x51: {  	[spmem:s3] =	stream.indirect.scatter.add.f32 [tilespmem:s9], [sflag:$0x1], $0x1, s19, s14, $0xb8;
	[tilespmem:$0x2B00] =	vst v63  }
0x52: {  	_ =	swait.ge [sflag:s15], $0x80  }
0x53: {  	[sflag:s15] =	ssyncset.done $0x0  }
0x54: {  	[sflag:s15] =	ssyncadd.s32 $0xFFFFFF80  }
0x55: {  	_ =	swait.ge [sflag:s15], $0x80  }
0x56: {  	[sflag:s15] =	ssyncset.done $0x0  }
0x57: {  	[sflag:s15] =	ssyncadd.s32 $0xFFFFFF80  }
0x58: {  	_ =	swait.ge [sflag:s15], $0x80  }
0x59: {  	[sflag:s15] =	ssyncset.done $0x0  }
0x5a: {  	[sflag:s15] =	ssyncadd.s32 $0xFFFFFF80  }
0x5b: {  	_ =	swait.ge [sflag:s15], $0x80  }
0x5c: {  	[sflag:s15] =	ssyncset.done $0x0  }
0x5d: {  	[sflag:s15] =	ssyncadd.s32 $0xFFFFFF80  }
0x5e: {  	_ =	swait.ge [sflag:s15], $0x80  }
0x5f: {  	[sflag:s15] =	ssyncset.done $0x0  }
0x60: {  	[sflag:s15] =	ssyncadd.s32 $0xFFFFFF80  }
0x61: {  	_ =	swait.ge [sflag:s15], $0x80  }
0x62: {  	[sflag:s15] =	ssyncset.done $0x0  }
0x63: {  	[sflag:s15] =	ssyncadd.s32 $0xFFFFFF80  }
.Ltmp0:
0x64: {  	_ =	swait.ge [sflag:s15], $0x80;
	(pc) =	sbr.rel @p0 .LBB2_2-.Ltmp0, $4  }
0x65: {  	[sflag:s15] =	ssyncset.done $0x0  }
0x66: {  	[sflag:s15] =	ssyncadd.s32 $0xFFFFFF80  }
0x67: {  	_ =	swait.ge [sflag:s15], $0x80  }
0x68: {  	s20 =	smov.u32 s17;
	s19 =	sshra.s32 s18, $0x2;
	[sflag:s15] =	ssyncset.done $0x0  }
0x69: {  	s17 =	sadd.s32 $0x300, s19;
	[sflag:s15] =	ssyncadd.s32 $0xFFFFFF80  }
0x6a: {  	[spmem:s3] =	stream.indirect.scatter.add.f32 [tilespmem:s9], [sflag:$0x1], $0x1, s17, s14, $0xb8;
	[tilespmem:$0x2B00] =	vst v63  }
0x6b: {  	s24 =	sadd.s32 $0x380, s19  }
0x6c: {  	[spmem:s3] =	stream.indirect.scatter.add.f32 [tilespmem:s9], [sflag:$0x1], $0x1, s24, s14, $0xb8;
	[tilespmem:$0x2B00] =	vst v63  }
0x6d: {  	s25 =	sadd.s32 $0x400, s19  }
0x6e: {  	[spmem:s3] =	stream.indirect.scatter.add.f32 [tilespmem:s9], [sflag:$0x1], $0x1, s25, s14, $0xb8;
	[tilespmem:$0x2B00] =	vst v63  }
0x6f: {  	s26 =	sadd.s32 $0x480, s19  }
0x70: {  	[spmem:s3] =	stream.indirect.scatter.add.f32 [tilespmem:s9], [sflag:$0x1], $0x1, s26, s14, $0xb8;
	[tilespmem:$0x2B00] =	vst v63  }
0x71: {  	s28 =	sadd.s32 $0x500, s19  }
0x72: {  	[spmem:s3] =	stream.indirect.scatter.add.f32 [tilespmem:s9], [sflag:$0x1], $0x1, s28, s14, $0xb8;
	[tilespmem:$0x2B00] =	vst v63  }
0x73: {  	s29 =	sadd.s32 $0x580, s19  }
0x74: {  	[spmem:s3] =	stream.indirect.scatter.add.f32 [tilespmem:s9], [sflag:$0x1], $0x1, s29, s14, $0xb8;
	[tilespmem:$0x2B00] =	vst v63  }
0x75: {  	s30 =	sadd.s32 $0x600, s19  }
0x76: {  	[spmem:s3] =	stream.indirect.scatter.add.f32 [tilespmem:s9], [sflag:$0x1], $0x1, s30, s14, $0xb8;
	[tilespmem:$0x2B00] =	vst v63  }
0x77: {  	s31 =	sadd.s32 $0x680, s19  }
0x78: {  	[spmem:s3] =	stream.indirect.scatter.add.f32 [tilespmem:s9], [sflag:$0x1], $0x1, s31, s14, $0xb8;
	[tilespmem:$0x2B00] =	vst v63  }
0x79: {  	_ =	swait.ge [sflag:s15], $0x80  }
0x7a: {  	[sflag:s15] =	ssyncset.done $0x0  }
0x7b: {  	[sflag:s15] =	ssyncadd.s32 $0xFFFFFF80  }
0x7c: {  	_ =	swait.ge [sflag:s15], $0x80  }
0x7d: {  	[sflag:s15] =	ssyncset.done $0x0  }
0x7e: {  	[sflag:s15] =	ssyncadd.s32 $0xFFFFFF80  }
0x7f: {  	_ =	swait.ge [sflag:s15], $0x80  }
0x80: {  	[sflag:s15] =	ssyncset.done $0x0  }
0x81: {  	[sflag:s15] =	ssyncadd.s32 $0xFFFFFF80  }
0x82: {  	_ =	swait.ge [sflag:s15], $0x80  }
0x83: {  	[sflag:s15] =	ssyncset.done $0x0  }
0x84: {  	[sflag:s15] =	ssyncadd.s32 $0xFFFFFF80  }
0x85: {  	_ =	swait.ge [sflag:s15], $0x80  }
0x86: {  	[sflag:s15] =	ssyncset.done $0x0  }
0x87: {  	[sflag:s15] =	ssyncadd.s32 $0xFFFFFF80  }
0x88: {  	_ =	swait.ge [sflag:s15], $0x80  }
0x89: {  	[sflag:s15] =	ssyncset.done $0x0  }
0x8a: {  	[sflag:s15] =	ssyncadd.s32 $0xFFFFFF80  }
0x8b: {  	_ =	swait.ge [sflag:s15], $0x80  }
0x8c: {  	[sflag:s15] =	ssyncset.done $0x0  }
0x8d: {  	[sflag:s15] =	ssyncadd.s32 $0xFFFFFF80  }
0x8e: {  	_ =	swait.ge [sflag:s15], $0x80  }
0x8f: {  	s16 =	sadd.s32 $0x1, s16;
	[sflag:s15] =	ssyncset.done $0x0  }
0x90: {  	p0 =	sne.s32 s16, s8;
	[sflag:s15] =	ssyncadd.s32 $0xFFFFFF80  }
.Ltmp1:
0x91: {  	[bflag:$0x0] =	sbarrier.arrive $0xFFFF;
	(pc) =	sbr.rel @p0 .LBB2_1-.Ltmp1, $4  }
0x92: {  	[hbm:s7], [sflag:s12] =	dma.local [spmem:s13], $0x50  }
0x93: {  	_ =	swait.ge [sflag:s10], $0x50  }
0x94: {  	[sflag:s10] =	ssyncset.done $0x0  }
0x95: {  	[sflag:s10] =	ssyncadd.s32 $0xFFFFFFB0  }
0x96: {  	_ =	sfence.sel $0x180000  }
0x97: {  	[bflag:$0x0] =	sbarrier.arrive $0xFFFF  }
0x98: {  	p0 =	sne.s32 s0, $0x0;
	_ =	strace $0x90000047  }
0x99: {  	s0 =	sadd.s32 @!p0 $0x100000, s1;
	[bflag:$0x2] =	sbarrier.arrive $0xFFFF  }
0x9a: {  	[sflag:s0] =	ssyncadd.tile.s32 @!p0 $0x1;
	_ =	shalt  }
.Lfunc_end2:
_tile_overlayer_lowered:
.L_overlay_start_2:
0x9b: {  	(tag) =	ssettag $0x2  }
0x9c: {  	s0 =	rddreg [dreg:$0x0];
	s2 =	stileid.u32  }
0x9d: {  	s1 =	rddreg [dreg:$0x1];
	p0 =	sne.s32 s2, $0x0  }
0x9e: {  	s3 =	rddreg [dreg:$0x2];
	[bflag:$0x3] =	sbarrier.arrive $0xFFFF;
	s2 =	simm.s32 @!p0 $0x1C02  }
0x9f: {  	[timem:s3], [sflag:s2] =	dma.local @!p0 [hbm:s0], s1  }
0xa0: {  	s0 =	simm.s32 @!p0 $0x2  }
0xa1: {  	_ =	swait.ge @!p0 [sflag:s0], s1  }
0xa2: {  	s1 =	ssub.s32 @!p0 $0x0, s1;
	[sflag:s0] =	ssyncset.done @!p0 $0x0  }
0xa3: {  	[sflag:s0] =	ssyncadd.s32 @!p0 s1  }
0xa4: {  	[bflag:$0x3] =	sbarrier.arrive $0xFFFF  }
0xa5: {  	_ =	shalt  }

</sc_bundles>
